<compile_context>
chip_gen: v7x
topology: tpu7x:2x2x1
jax: 0.10.2.dev20260603
libtpu: 0.0.44.dev20260713+nightly
codegen_flags: <defaults>
</compile_context>

<pallas_src>
import functools

import jax
import jax.numpy as jnp
from jax import lax
from jax.experimental import pallas as pl
from jax.experimental.pallas import tpu as pltpu
from jax.experimental.pallas import tpu_sc as plsc

N_NODES = 10000
N_EDGES = 320000
D_FEAT = 128

NC = 2
NS = 16
NW = NC * NS
EDGES_PER_TILE = N_EDGES // NW
CHUNK = 40
NBUF = 5
N_CHUNKS = EDGES_PER_TILE // CHUNK
N_ROUNDS = N_CHUNKS // NBUF
GROUP = NBUF * CHUNK
ROWS_PER_TILE = 624
ROWS_LAST = N_NODES - (NS - 1) * ROWS_PER_TILE

_MESH = plsc.VectorSubcoreMesh(core_axis_name="c", subcore_axis_name="s")


@functools.partial(
    pl.kernel,
    out_type=jax.ShapeDtypeStruct((NC, N_NODES, D_FEAT), jnp.float32),
    mesh=_MESH,
    scratch_types=[
        pltpu.VMEM((GROUP, D_FEAT), jnp.float32),
        pltpu.VMEM((NBUF, 2, CHUNK), jnp.int32),
        pltpu.VMEM((NBUF, 2, CHUNK), jnp.int32),
        pltpu.VMEM_SHARED((N_NODES, D_FEAT), jnp.float32),
        pltpu.SemaphoreType.DMA,
        pltpu.SemaphoreType.DMA,
        pltpu.SemaphoreType.DMA,
        pltpu.SemaphoreType.DMA,
    ],
)
def _sc_aggregate(feat_hbm, idx_hbm, out_hbm,
                  rows_v, ib0, ib1, acc_sh, gsem, ssem, isem0, isem1):
    c = lax.axis_index("c")
    s = lax.axis_index("s")
    w = c * NS + s
    ibufs = (ib0, ib1)
    isems = (isem0, isem1)

    r0 = pl.multiple_of(s * ROWS_PER_TILE, 8)

    @pl.when(s < NS - 1)
    def _():
        pltpu.sync_copy(feat_hbm.at[pl.ds(r0, ROWS_PER_TILE)],
                        acc_sh.at[pl.ds(r0, ROWS_PER_TILE)])

    @pl.when(s == NS - 1)
    def _():
        pltpu.sync_copy(feat_hbm.at[pl.ds(r0, ROWS_LAST)],
                        acc_sh.at[pl.ds(r0, ROWS_LAST)])

    plsc.subcore_barrier()

    def load_idx(r, p):
        pltpu.async_copy(idx_hbm.at[w, r], ibufs[p], isems[p])

    def wait_idx(p):
        pltpu.make_async_copy(idx_hbm.at[w, 0], ibufs[p], isems[p]).wait()

    def fire_gathers(p):
        for b in range(NBUF):
            pltpu.async_copy(
                feat_hbm.at[ibufs[p].at[b, 0]],
                rows_v.at[pl.ds(b * CHUNK, CHUNK)], gsem)

    def drain(sem):
        pltpu.make_async_copy(feat_hbm.at[pl.ds(0, GROUP)],
                              rows_v.at[pl.ds(0, GROUP)], sem).wait()

    def fire_scatters(p):
        for b in range(NBUF):
            pltpu.async_copy(
                rows_v.at[pl.ds(b * CHUNK, CHUNK)],
                acc_sh.at[ibufs[p].at[b, 1]], ssem, add=True)

    load_idx(0, 0)
    load_idx(1, 1)
    wait_idx(0)
    fire_gathers(0)

    def super_body(sr, carry):
        for half in range(2):
            r = 2 * sr + half
            p = half
            drain(gsem)
            fire_scatters(p)
            drain(ssem)
            load_idx(r + 2, p)
            wait_idx(1 - p)
            fire_gathers(1 - p)
        return carry

    lax.fori_loop(0, (N_ROUNDS - 2) // 2, super_body, 0)

    drain(gsem)
    fire_scatters(0)
    drain(ssem)
    wait_idx(1)
    fire_gathers(1)
    drain(gsem)
    fire_scatters(1)
    drain(ssem)

    plsc.subcore_barrier()

    @pl.when(s < NS - 1)
    def _():
        pltpu.sync_copy(acc_sh.at[pl.ds(r0, ROWS_PER_TILE)],
                        out_hbm.at[c, pl.ds(r0, ROWS_PER_TILE)])

    @pl.when(s == NS - 1)
    def _():
        pltpu.sync_copy(acc_sh.at[pl.ds(r0, ROWS_LAST)],
                        out_hbm.at[c, pl.ds(r0, ROWS_LAST)])


_BLK = 400


def _combine_body(f_ref, p0_ref, p1_ref, o_ref):
    o_ref[...] = p0_ref[...] + p1_ref[...] - f_ref[...]


def _combine(feat, p0, p1):
    return pl.pallas_call(
        _combine_body,
        out_shape=jax.ShapeDtypeStruct((N_NODES, D_FEAT), jnp.float32),
        grid=(N_NODES // _BLK,),
        in_specs=[pl.BlockSpec((_BLK, D_FEAT), lambda i: (i, 0))] * 3,
        out_specs=pl.BlockSpec((_BLK, D_FEAT), lambda i: (i, 0)),
    )(feat, p0, p1)


def kernel(feat, edge_index):
    ei = edge_index.astype(jnp.int32)
    src = ei[0].reshape(NW, N_ROUNDS, NBUF, CHUNK)
    dst = ei[1].reshape(NW, N_ROUNDS, NBUF, CHUNK)
    packed = jnp.stack([src, dst], axis=3)
    partials = _sc_aggregate(feat, packed)
    return _combine(feat, partials[0], partials[1])

# --- scband reference (transcript-rebuilt; emitter-appended) ---
"""Pipeline reference for scband-ginconv-31121333027433 (READ-ONLY COPY).

The authoritative reference and input builder live on the scoring server;
editing this copy changes nothing except your own understanding.
"""

import jax, jax.numpy as jnp
import numpy as np

N_NODES = 10000
N_EDGES = 320000
D_FEAT = 128
EPS = 0.0  # init_eps=0, learn_eps=False (buffer, not trained)


def setup_inputs(seed: int = 0) -> dict:
    key = jax.random.key(seed)
    k1, k2 = jax.random.split(key)
    feat = jax.random.normal(k1, (N_NODES, D_FEAT), dtype=jnp.float32)
    edge_index = jax.random.randint(k2, (2, N_EDGES), 0, N_NODES, dtype=jnp.int32).astype(jnp.int64)
    return {"feat": feat, "edge_index": edge_index}


def reference(feat, edge_index):
    # GINConv with sum aggregator, apply_func=None, activation=None:
    #   feat_dst = gspmm_sum(graph, feat)  -> scatter-add of source features onto dst nodes
    #   rst = (1 + eps) * feat + feat_dst
    src = edge_index[0]
    dst = edge_index[1]
    msgs = jnp.take(feat, src, axis=0)                      # gather  [E, D]
    agg = jax.ops.segment_sum(msgs, dst, num_segments=N_NODES)  # scatter-add [N, D]
    rst = (1.0 + EPS) * feat + agg
    return rst

if __name__ == "__main__":
    import jax
    _d = setup_inputs()
    print(jax.jit(kernel)(*tuple(_d.values())))

</pallas_src>

<mosaic_0001>
#map = affine_map<(d0, d1) -> (0, 0)>
#map1 = affine_map<(d0, d1) -> (0, 0, 0, 0, 0)>
#map2 = affine_map<(d0, d1) -> (0, 0, 0)>
module attributes {stable_mosaic.version = 14 : i64} {
  func.func @_sc_aggregate(%arg0: i32, %arg1: i32, %arg2: memref<10000x128xf32, #tpu.memory_space<hbm>>, %arg3: memref<32x50x5x2x40xi32, #tpu.memory_space<hbm>>, %arg4: memref<2x10000x128xf32, #tpu.memory_space<hbm>>, %arg5: memref<200x128xf32, #tpu.memory_space<vmem>>, %arg6: memref<5x2x40xi32, #tpu.memory_space<vmem>>, %arg7: memref<5x2x40xi32, #tpu.memory_space<vmem>>, %arg8: memref<10000x128xf32, #tpu.memory_space<vmem_shared>>, %arg9: memref<!tpu.dma_semaphore, #tpu.memory_space<semaphore_mem>>, %arg10: memref<!tpu.dma_semaphore, #tpu.memory_space<semaphore_mem>>, %arg11: memref<!tpu.dma_semaphore, #tpu.memory_space<semaphore_mem>>, %arg12: memref<!tpu.dma_semaphore, #tpu.memory_space<semaphore_mem>>) attributes {dimension_semantics = [#tpu.dimension_semantics<core_parallel>, #tpu.dimension_semantics<subcore_parallel>], iteration_bounds = array<i64: 2, 16>, scalar_prefetch = 0 : i64, scratch_operands = 8 : i64, tpu.core_type = #tpu.core_type<sc_vector_subcore>, window_params = [{transform_indices = #map}, {transform_indices = #map1}, {transform_indices = #map2}]} {
    %mul3A = arith.constant 16 : i32
    %mul3A_0 = arith.muli %arg0, %mul3A : i32
    %add3A = arith.addi %mul3A_0, %arg1 : i32
    %mul3A_1 = arith.constant 624 : i32
    %mul3A_2 = arith.muli %arg1, %mul3A_1 : i32
    %multiple_of3A = tpu.assume_multiple %mul3A_2, 8 : i32
    %lt3A = arith.constant 15 : i32
    %lt3A_3 = arith.cmpi slt, %arg1, %lt3A : i32
    %convert_element_type3A = arith.extui %lt3A_3 : i1 to i32
    %cond3A = arith.constant 0 : i32
    %cond3A_4 = arith.cmpi ne, %convert_element_type3A, %cond3A : i32
    scf.if %cond3A_4 {
      "tpu.region"() ({
        %run_scoped3A = tpu.sem_alloc : memref<!tpu.dma_semaphore, #tpu.memory_space<semaphore_mem>>
        %dma_start3A_335 = arith.constant 0 : i32
        %dma_start3A_336 = tpu.memref_slice %arg8[%multiple_of3A, %dma_start3A_335] : memref<10000x128xf32, #tpu.memory_space<vmem_shared>> -> memref<624x128xf32, #tpu.memory_space<vmem_shared>>
        %dma_start3A_337 = arith.constant 0 : i32
        %dma_start3A_338 = tpu.memref_slice %arg2[%multiple_of3A, %dma_start3A_337] : memref<10000x128xf32, #tpu.memory_space<hbm>> -> memref<624x128xf32, #tpu.memory_space<hbm>>
        tpu.enqueue_dma source(%dma_start3A_338 : memref<624x128xf32, #tpu.memory_space<hbm>>) target(%dma_start3A_336 : memref<624x128xf32, #tpu.memory_space<vmem_shared>>) target_semaphore(%run_scoped3A : memref<!tpu.dma_semaphore, #tpu.memory_space<semaphore_mem>>)
        %dma_wait3A_339 = arith.constant 0 : i32
        %dma_wait3A_340 = tpu.memref_slice %arg8[%multiple_of3A, %dma_wait3A_339] : memref<10000x128xf32, #tpu.memory_space<vmem_shared>> -> memref<624x128xf32, #tpu.memory_space<vmem_shared>>
        %dma_wait3A_341 = arith.constant 0 : i32
        %dma_wait3A_342 = tpu.memref_slice %arg2[%multiple_of3A, %dma_wait3A_341] : memref<10000x128xf32, #tpu.memory_space<hbm>> -> memref<624x128xf32, #tpu.memory_space<hbm>>
        tpu.wait_dma2 semaphore(%run_scoped3A : memref<!tpu.dma_semaphore, #tpu.memory_space<semaphore_mem>>) src(%dma_wait3A_342 : memref<624x128xf32, #tpu.memory_space<hbm>>) dst(%dma_wait3A_340 : memref<624x128xf32, #tpu.memory_space<vmem_shared>>)
        tpu.yield
      }) : () -> ()
    } else {
    }
    %eq3A = arith.constant 15 : i32
    %eq3A_5 = arith.cmpi eq, %arg1, %eq3A : i32
    %convert_element_type3A_6 = arith.extui %eq3A_5 : i1 to i32
    %cond3A_7 = arith.constant 0 : i32
    %cond3A_8 = arith.cmpi ne, %convert_element_type3A_6, %cond3A_7 : i32
    scf.if %cond3A_8 {
      "tpu.region"() ({
        %run_scoped3A = tpu.sem_alloc : memref<!tpu.dma_semaphore, #tpu.memory_space<semaphore_mem>>
        %dma_start3A_335 = arith.constant 0 : i32
        %dma_start3A_336 = tpu.memref_slice %arg8[%multiple_of3A, %dma_start3A_335] : memref<10000x128xf32, #tpu.memory_space<vmem_shared>> -> memref<640x128xf32, #tpu.memory_space<vmem_shared>>
        %dma_start3A_337 = arith.constant 0 : i32
        %dma_start3A_338 = tpu.memref_slice %arg2[%multiple_of3A, %dma_start3A_337] : memref<10000x128xf32, #tpu.memory_space<hbm>> -> memref<640x128xf32, #tpu.memory_space<hbm>>
        tpu.enqueue_dma source(%dma_start3A_338 : memref<640x128xf32, #tpu.memory_space<hbm>>) target(%dma_start3A_336 : memref<640x128xf32, #tpu.memory_space<vmem_shared>>) target_semaphore(%run_scoped3A : memref<!tpu.dma_semaphore, #tpu.memory_space<semaphore_mem>>)
        %dma_wait3A_339 = arith.constant 0 : i32
        %dma_wait3A_340 = tpu.memref_slice %arg8[%multiple_of3A, %dma_wait3A_339] : memref<10000x128xf32, #tpu.memory_space<vmem_shared>> -> memref<640x128xf32, #tpu.memory_space<vmem_shared>>
        %dma_wait3A_341 = arith.constant 0 : i32
        %dma_wait3A_342 = tpu.memref_slice %arg2[%multiple_of3A, %dma_wait3A_341] : memref<10000x128xf32, #tpu.memory_space<hbm>> -> memref<640x128xf32, #tpu.memory_space<hbm>>
        tpu.wait_dma2 semaphore(%run_scoped3A : memref<!tpu.dma_semaphore, #tpu.memory_space<semaphore_mem>>) src(%dma_wait3A_342 : memref<640x128xf32, #tpu.memory_space<hbm>>) dst(%dma_wait3A_340 : memref<640x128xf32, #tpu.memory_space<vmem_shared>>)
        tpu.yield
      }) : () -> ()
    } else {
    }
    %barrier3A = arith.constant 0 : index
    tpu.barrier barrier_id(%barrier3A)
    %dma_start3A = arith.constant 0 : i32
    %dma_start3A_9 = arith.constant 0 : i32
    %dma_start3A_10 = arith.constant 0 : i32
    %dma_start3A_11 = arith.constant 0 : i32
    %dma_start3A_12 = tpu.memref_slice %arg3[%add3A, %dma_start3A, %dma_start3A_9, %dma_start3A_10, %dma_start3A_11] : memref<32x50x5x2x40xi32, #tpu.memory_space<hbm>> -> memref<1x1x5x2x40xi32, #tpu.memory_space<hbm>>
    %dma_start3A_13 = tpu.memref_squeeze %dma_start3A_12 : memref<1x1x5x2x40xi32, #tpu.memory_space<hbm>> -> memref<5x2x40xi32, #tpu.memory_space<hbm>>
    %dma_start3A_14 = arith.constant 0 : i32
    %dma_start3A_15 = arith.constant 0 : i32
    %dma_start3A_16 = arith.constant 0 : i32
    %dma_start3A_17 = tpu.memref_slice %arg3[%add3A, %dma_start3A, %dma_start3A_14, %dma_start3A_15, %dma_start3A_16] : memref<32x50x5x2x40xi32, #tpu.memory_space<hbm>> -> memref<1x1x5x2x40xi32, #tpu.memory_space<hbm>>
    %dma_start3A_18 = tpu.memref_squeeze %dma_start3A_17 : memref<1x1x5x2x40xi32, #tpu.memory_space<hbm>> -> memref<5x2x40xi32, #tpu.memory_space<hbm>>
    tpu.enqueue_dma source(%dma_start3A_18 : memref<5x2x40xi32, #tpu.memory_space<hbm>>) target(%arg6 : memref<5x2x40xi32, #tpu.memory_space<vmem>>) target_semaphore(%arg11 : memref<!tpu.dma_semaphore, #tpu.memory_space<semaphore_mem>>)
    %dma_start3A_19 = arith.constant 1 : i32
    %dma_start3A_20 = arith.constant 0 : i32
    %dma_start3A_21 = arith.constant 0 : i32
    %dma_start3A_22 = arith.constant 0 : i32
    %dma_start3A_23 = tpu.memref_slice %arg3[%add3A, %dma_start3A_19, %dma_start3A_20, %dma_start3A_21, %dma_start3A_22] : memref<32x50x5x2x40xi32, #tpu.memory_space<hbm>> -> memref<1x1x5x2x40xi32, #tpu.memory_space<hbm>>
    %dma_start3A_24 = tpu.memref_squeeze %dma_start3A_23 : memref<1x1x5x2x40xi32, #tpu.memory_space<hbm>> -> memref<5x2x40xi32, #tpu.memory_space<hbm>>
    %dma_start3A_25 = arith.constant 0 : i32
    %dma_start3A_26 = arith.constant 0 : i32
    %dma_start3A_27 = arith.constant 0 : i32
    %dma_start3A_28 = tpu.memref_slice %arg3[%add3A, %dma_start3A_19, %dma_start3A_25, %dma_start3A_26, %dma_start3A_27] : memref<32x50x5x2x40xi32, #tpu.memory_space<hbm>> -> memref<1x1x5x2x40xi32, #tpu.memory_space<hbm>>
    %dma_start3A_29 = tpu.memref_squeeze %dma_start3A_28 : memref<1x1x5x2x40xi32, #tpu.memory_space<hbm>> -> memref<5x2x40xi32, #tpu.memory_space<hbm>>
    tpu.enqueue_dma source(%dma_start3A_29 : memref<5x2x40xi32, #tpu.memory_space<hbm>>) target(%arg7 : memref<5x2x40xi32, #tpu.memory_space<vmem>>) target_semaphore(%arg12 : memref<!tpu.dma_semaphore, #tpu.memory_space<semaphore_mem>>)
    %dma_wait3A = arith.constant 0 : i32
    %dma_wait3A_30 = arith.constant 0 : i32
    %dma_wait3A_31 = arith.constant 0 : i32
    %dma_wait3A_32 = arith.constant 0 : i32
    %dma_wait3A_33 = tpu.memref_slice %arg3[%add3A, %dma_wait3A, %dma_wait3A_30, %dma_wait3A_31, %dma_wait3A_32] : memref<32x50x5x2x40xi32, #tpu.memory_space<hbm>> -> memref<1x1x5x2x40xi32, #tpu.memory_space<hbm>>
    %dma_wait3A_34 = tpu.memref_squeeze %dma_wait3A_33 : memref<1x1x5x2x40xi32, #tpu.memory_space<hbm>> -> memref<5x2x40xi32, #tpu.memory_space<hbm>>
    %dma_wait3A_35 = arith.constant 0 : i32
    %dma_wait3A_36 = arith.constant 0 : i32
    %dma_wait3A_37 = arith.constant 0 : i32
    %dma_wait3A_38 = tpu.memref_slice %arg3[%add3A, %dma_wait3A, %dma_wait3A_35, %dma_wait3A_36, %dma_wait3A_37] : memref<32x50x5x2x40xi32, #tpu.memory_space<hbm>> -> memref<1x1x5x2x40xi32, #tpu.memory_space<hbm>>
    %dma_wait3A_39 = tpu.memref_squeeze %dma_wait3A_38 : memref<1x1x5x2x40xi32, #tpu.memory_space<hbm>> -> memref<5x2x40xi32, #tpu.memory_space<hbm>>
    tpu.wait_dma2 semaphore(%arg11 : memref<!tpu.dma_semaphore, #tpu.memory_space<semaphore_mem>>) src(%dma_wait3A_39 : memref<5x2x40xi32, #tpu.memory_space<hbm>>) dst(%arg6 : memref<5x2x40xi32, #tpu.memory_space<vmem>>)
    %dma_start3A_40 = arith.constant 0 : i32
    %dma_start3A_41 = arith.constant 0 : i32
    %dma_start3A_42 = arith.constant 0 : i32
    %dma_start3A_43 = arith.constant 0 : i32
    %dma_start3A_44 = tpu.memref_slice %arg5[%dma_start3A_42, %dma_start3A_43] : memref<200x128xf32, #tpu.memory_space<vmem>> -> memref<40x128xf32, #tpu.memory_space<vmem>>
    %dma_start3A_45 = arith.constant 0 : i32
    %dma_start3A_46 = tpu.memref_slice %arg6[%dma_start3A_40, %dma_start3A_41, %dma_start3A_45] : memref<5x2x40xi32, #tpu.memory_space<vmem>> -> memref<1x1x40xi32, #tpu.memory_space<vmem>>
    %dma_start3A_47 = tpu.memref_squeeze %dma_start3A_46 : memref<1x1x40xi32, #tpu.memory_space<vmem>> -> memref<40xi32, #tpu.memory_space<vmem>>
    %dma_start3A_48 = arith.constant 0 : i32
    %dma_start3A_49 = arith.constant 0 : i32
    %dma_start3A_50 = tpu.memref_slice %arg2[%dma_start3A_48, %dma_start3A_49] : memref<10000x128xf32, #tpu.memory_space<hbm>> -> memref<10000x128xf32, #tpu.memory_space<hbm>>
    tpu.enqueue_indirect_dma source(%dma_start3A_50 : memref<10000x128xf32, #tpu.memory_space<hbm>>) target(%dma_start3A_44 : memref<40x128xf32, #tpu.memory_space<vmem>>) offsets(%dma_start3A_47 : memref<40xi32, #tpu.memory_space<vmem>>) semaphore(%arg9 : memref<!tpu.dma_semaphore, #tpu.memory_space<semaphore_mem>>)
    %dma_start3A_51 = arith.constant 1 : i32
    %dma_start3A_52 = arith.constant 0 : i32
    %dma_start3A_53 = arith.constant 40 : i32
    %dma_start3A_54 = arith.constant 0 : i32
    %dma_start3A_55 = tpu.memref_slice %arg5[%dma_start3A_53, %dma_start3A_54] : memref<200x128xf32, #tpu.memory_space<vmem>> -> memref<40x128xf32, #tpu.memory_space<vmem>>
    %dma_start3A_56 = arith.constant 0 : i32
    %dma_start3A_57 = tpu.memref_slice %arg6[%dma_start3A_51, %dma_start3A_52, %dma_start3A_56] : memref<5x2x40xi32, #tpu.memory_space<vmem>> -> memref<1x1x40xi32, #tpu.memory_space<vmem>>
    %dma_start3A_58 = tpu.memref_squeeze %dma_start3A_57 : memref<1x1x40xi32, #tpu.memory_space<vmem>> -> memref<40xi32, #tpu.memory_space<vmem>>
    %dma_start3A_59 = arith.constant 0 : i32
    %dma_start3A_60 = arith.constant 0 : i32
    %dma_start3A_61 = tpu.memref_slice %arg2[%dma_start3A_59, %dma_start3A_60] : memref<10000x128xf32, #tpu.memory_space<hbm>> -> memref<10000x128xf32, #tpu.memory_space<hbm>>
    tpu.enqueue_indirect_dma source(%dma_start3A_61 : memref<10000x128xf32, #tpu.memory_space<hbm>>) target(%dma_start3A_55 : memref<40x128xf32, #tpu.memory_space<vmem>>) offsets(%dma_start3A_58 : memref<40xi32, #tpu.memory_space<vmem>>) semaphore(%arg9 : memref<!tpu.dma_semaphore, #tpu.memory_space<semaphore_mem>>)
    %dma_start3A_62 = arith.constant 2 : i32
    %dma_start3A_63 = arith.constant 0 : i32
    %dma_start3A_64 = arith.constant 80 : i32
    %dma_start3A_65 = arith.constant 0 : i32
    %dma_start3A_66 = tpu.memref_slice %arg5[%dma_start3A_64, %dma_start3A_65] : memref<200x128xf32, #tpu.memory_space<vmem>> -> memref<40x128xf32, #tpu.memory_space<vmem>>
    %dma_start3A_67 = arith.constant 0 : i32
    %dma_start3A_68 = tpu.memref_slice %arg6[%dma_start3A_62, %dma_start3A_63, %dma_start3A_67] : memref<5x2x40xi32, #tpu.memory_space<vmem>> -> memref<1x1x40xi32, #tpu.memory_space<vmem>>
    %dma_start3A_69 = tpu.memref_squeeze %dma_start3A_68 : memref<1x1x40xi32, #tpu.memory_space<vmem>> -> memref<40xi32, #tpu.memory_space<vmem>>
    %dma_start3A_70 = arith.constant 0 : i32
    %dma_start3A_71 = arith.constant 0 : i32
    %dma_start3A_72 = tpu.memref_slice %arg2[%dma_start3A_70, %dma_start3A_71] : memref<10000x128xf32, #tpu.memory_space<hbm>> -> memref<10000x128xf32, #tpu.memory_space<hbm>>
    tpu.enqueue_indirect_dma source(%dma_start3A_72 : memref<10000x128xf32, #tpu.memory_space<hbm>>) target(%dma_start3A_66 : memref<40x128xf32, #tpu.memory_space<vmem>>) offsets(%dma_start3A_69 : memref<40xi32, #tpu.memory_space<vmem>>) semaphore(%arg9 : memref<!tpu.dma_semaphore, #tpu.memory_space<semaphore_mem>>)
    %dma_start3A_73 = arith.constant 3 : i32
    %dma_start3A_74 = arith.constant 0 : i32
    %dma_start3A_75 = arith.constant 120 : i32
    %dma_start3A_76 = arith.constant 0 : i32
    %dma_start3A_77 = tpu.memref_slice %arg5[%dma_start3A_75, %dma_start3A_76] : memref<200x128xf32, #tpu.memory_space<vmem>> -> memref<40x128xf32, #tpu.memory_space<vmem>>
    %dma_start3A_78 = arith.constant 0 : i32
    %dma_start3A_79 = tpu.memref_slice %arg6[%dma_start3A_73, %dma_start3A_74, %dma_start3A_78] : memref<5x2x40xi32, #tpu.memory_space<vmem>> -> memref<1x1x40xi32, #tpu.memory_space<vmem>>
    %dma_start3A_80 = tpu.memref_squeeze %dma_start3A_79 : memref<1x1x40xi32, #tpu.memory_space<vmem>> -> memref<40xi32, #tpu.memory_space<vmem>>
    %dma_start3A_81 = arith.constant 0 : i32
    %dma_start3A_82 = arith.constant 0 : i32
    %dma_start3A_83 = tpu.memref_slice %arg2[%dma_start3A_81, %dma_start3A_82] : memref<10000x128xf32, #tpu.memory_space<hbm>> -> memref<10000x128xf32, #tpu.memory_space<hbm>>
    tpu.enqueue_indirect_dma source(%dma_start3A_83 : memref<10000x128xf32, #tpu.memory_space<hbm>>) target(%dma_start3A_77 : memref<40x128xf32, #tpu.memory_space<vmem>>) offsets(%dma_start3A_80 : memref<40xi32, #tpu.memory_space<vmem>>) semaphore(%arg9 : memref<!tpu.dma_semaphore, #tpu.memory_space<semaphore_mem>>)
    %dma_start3A_84 = arith.constant 4 : i32
    %dma_start3A_85 = arith.constant 0 : i32
    %dma_start3A_86 = arith.constant 160 : i32
    %dma_start3A_87 = arith.constant 0 : i32
    %dma_start3A_88 = tpu.memref_slice %arg5[%dma_start3A_86, %dma_start3A_87] : memref<200x128xf32, #tpu.memory_space<vmem>> -> memref<40x128xf32, #tpu.memory_space<vmem>>
    %dma_start3A_89 = arith.constant 0 : i32
    %dma_start3A_90 = tpu.memref_slice %arg6[%dma_start3A_84, %dma_start3A_85, %dma_start3A_89] : memref<5x2x40xi32, #tpu.memory_space<vmem>> -> memref<1x1x40xi32, #tpu.memory_space<vmem>>
    %dma_start3A_91 = tpu.memref_squeeze %dma_start3A_90 : memref<1x1x40xi32, #tpu.memory_space<vmem>> -> memref<40xi32, #tpu.memory_space<vmem>>
    %dma_start3A_92 = arith.constant 0 : i32
    %dma_start3A_93 = arith.constant 0 : i32
    %dma_start3A_94 = tpu.memref_slice %arg2[%dma_start3A_92, %dma_start3A_93] : memref<10000x128xf32, #tpu.memory_space<hbm>> -> memref<10000x128xf32, #tpu.memory_space<hbm>>
    tpu.enqueue_indirect_dma source(%dma_start3A_94 : memref<10000x128xf32, #tpu.memory_space<hbm>>) target(%dma_start3A_88 : memref<40x128xf32, #tpu.memory_space<vmem>>) offsets(%dma_start3A_91 : memref<40xi32, #tpu.memory_space<vmem>>) semaphore(%arg9 : memref<!tpu.dma_semaphore, #tpu.memory_space<semaphore_mem>>)
    %scan3A = arith.constant 0 : i32
    %scan3A_95 = arith.constant 0 : i32
    %scan3A_96 = arith.constant 24 : i32
    %scan3A_97 = arith.addi %scan3A_95, %scan3A_96 : i32
    %scan3A_98 = arith.constant 1 : i32
    scf.for %scan3A_335 = %scan3A_95 to %scan3A_97 step %scan3A_98  : i32 {
      %mul3A_336 = arith.constant 2 : i32
      %mul3A_337 = arith.muli %mul3A_336, %scan3A_335 : i32
      %add3A_338 = arith.constant 0 : i32
      %add3A_339 = arith.addi %mul3A_337, %add3A_338 : i32
      %dma_wait3A_340 = arith.constant 0 : i32
      %dma_wait3A_341 = arith.constant 0 : i32
      %dma_wait3A_342 = tpu.memref_slice %arg5[%dma_wait3A_340, %dma_wait3A_341] : memref<200x128xf32, #tpu.memory_space<vmem>> -> memref<200x128xf32, #tpu.memory_space<vmem>>
      %dma_wait3A_343 = arith.constant 0 : i32
      %dma_wait3A_344 = arith.constant 0 : i32
      %dma_wait3A_345 = tpu.memref_slice %arg2[%dma_wait3A_343, %dma_wait3A_344] : memref<10000x128xf32, #tpu.memory_space<hbm>> -> memref<200x128xf32, #tpu.memory_space<hbm>>
      %dma_wait3A_346 = arith.constant 0 : i32
      %dma_wait3A_347 = arith.constant 0 : i32
      %dma_wait3A_348 = tpu.memref_slice %arg5[%dma_wait3A_346, %dma_wait3A_347] : memref<200x128xf32, #tpu.memory_space<vmem>> -> memref<200x128xf32, #tpu.memory_space<vmem>>
      %dma_wait3A_349 = arith.constant 0 : i32
      %dma_wait3A_350 = arith.constant 0 : i32
      %dma_wait3A_351 = tpu.memref_slice %arg2[%dma_wait3A_349, %dma_wait3A_350] : memref<10000x128xf32, #tpu.memory_space<hbm>> -> memref<200x128xf32, #tpu.memory_space<hbm>>
      tpu.wait_dma2 semaphore(%arg9 : memref<!tpu.dma_semaphore, #tpu.memory_space<semaphore_mem>>) src(%dma_wait3A_351 : memref<200x128xf32, #tpu.memory_space<hbm>>) dst(%dma_wait3A_348 : memref<200x128xf32, #tpu.memory_space<vmem>>)
      %dma_start3A_352 = arith.constant 0 : i32
      %dma_start3A_353 = arith.constant 1 : i32
      %dma_start3A_354 = arith.constant 0 : i32
      %dma_start3A_355 = arith.constant 0 : i32
      %dma_start3A_356 = tpu.memref_slice %arg5[%dma_start3A_354, %dma_start3A_355] : memref<200x128xf32, #tpu.memory_space<vmem>> -> memref<40x128xf32, #tpu.memory_space<vmem>>
      %dma_start3A_357 = arith.constant 0 : i32
      %dma_start3A_358 = tpu.memref_slice %arg6[%dma_start3A_352, %dma_start3A_353, %dma_start3A_357] : memref<5x2x40xi32, #tpu.memory_space<vmem>> -> memref<1x1x40xi32, #tpu.memory_space<vmem>>
      %dma_start3A_359 = tpu.memref_squeeze %dma_start3A_358 : memref<1x1x40xi32, #tpu.memory_space<vmem>> -> memref<40xi32, #tpu.memory_space<vmem>>
      %dma_start3A_360 = arith.constant 0 : i32
      %dma_start3A_361 = arith.constant 0 : i32
      %dma_start3A_362 = tpu.memref_slice %arg8[%dma_start3A_360, %dma_start3A_361] : memref<10000x128xf32, #tpu.memory_space<vmem_shared>> -> memref<10000x128xf32, #tpu.memory_space<vmem_shared>>
      tpu.enqueue_indirect_dma source(%dma_start3A_356 : memref<40x128xf32, #tpu.memory_space<vmem>>) target(%dma_start3A_362 : memref<10000x128xf32, #tpu.memory_space<vmem_shared>>) offsets(%dma_start3A_359 : memref<40xi32, #tpu.memory_space<vmem>>) semaphore(%arg10 : memref<!tpu.dma_semaphore, #tpu.memory_space<semaphore_mem>>) {add = true}
      %dma_start3A_363 = arith.constant 1 : i32
      %dma_start3A_364 = arith.constant 1 : i32
      %dma_start3A_365 = arith.constant 40 : i32
      %dma_start3A_366 = arith.constant 0 : i32
      %dma_start3A_367 = tpu.memref_slice %arg5[%dma_start3A_365, %dma_start3A_366] : memref<200x128xf32, #tpu.memory_space<vmem>> -> memref<40x128xf32, #tpu.memory_space<vmem>>
      %dma_start3A_368 = arith.constant 0 : i32
      %dma_start3A_369 = tpu.memref_slice %arg6[%dma_start3A_363, %dma_start3A_364, %dma_start3A_368] : memref<5x2x40xi32, #tpu.memory_space<vmem>> -> memref<1x1x40xi32, #tpu.memory_space<vmem>>
      %dma_start3A_370 = tpu.memref_squeeze %dma_start3A_369 : memref<1x1x40xi32, #tpu.memory_space<vmem>> -> memref<40xi32, #tpu.memory_space<vmem>>
      %dma_start3A_371 = arith.constant 0 : i32
      %dma_start3A_372 = arith.constant 0 : i32
      %dma_start3A_373 = tpu.memref_slice %arg8[%dma_start3A_371, %dma_start3A_372] : memref<10000x128xf32, #tpu.memory_space<vmem_shared>> -> memref<10000x128xf32, #tpu.memory_space<vmem_shared>>
      tpu.enqueue_indirect_dma source(%dma_start3A_367 : memref<40x128xf32, #tpu.memory_space<vmem>>) target(%dma_start3A_373 : memref<10000x128xf32, #tpu.memory_space<vmem_shared>>) offsets(%dma_start3A_370 : memref<40xi32, #tpu.memory_space<vmem>>) semaphore(%arg10 : memref<!tpu.dma_semaphore, #tpu.memory_space<semaphore_mem>>) {add = true}
      %dma_start3A_374 = arith.constant 2 : i32
      %dma_start3A_375 = arith.constant 1 : i32
      %dma_start3A_376 = arith.constant 80 : i32
      %dma_start3A_377 = arith.constant 0 : i32
      %dma_start3A_378 = tpu.memref_slice %arg5[%dma_start3A_376, %dma_start3A_377] : memref<200x128xf32, #tpu.memory_space<vmem>> -> memref<40x128xf32, #tpu.memory_space<vmem>>
      %dma_start3A_379 = arith.constant 0 : i32
      %dma_start3A_380 = tpu.memref_slice %arg6[%dma_start3A_374, %dma_start3A_375, %dma_start3A_379] : memref<5x2x40xi32, #tpu.memory_space<vmem>> -> memref<1x1x40xi32, #tpu.memory_space<vmem>>
      %dma_start3A_381 = tpu.memref_squeeze %dma_start3A_380 : memref<1x1x40xi32, #tpu.memory_space<vmem>> -> memref<40xi32, #tpu.memory_space<vmem>>
      %dma_start3A_382 = arith.constant 0 : i32
      %dma_start3A_383 = arith.constant 0 : i32
      %dma_start3A_384 = tpu.memref_slice %arg8[%dma_start3A_382, %dma_start3A_383] : memref<10000x128xf32, #tpu.memory_space<vmem_shared>> -> memref<10000x128xf32, #tpu.memory_space<vmem_shared>>
      tpu.enqueue_indirect_dma source(%dma_start3A_378 : memref<40x128xf32, #tpu.memory_space<vmem>>) target(%dma_start3A_384 : memref<10000x128xf32, #tpu.memory_space<vmem_shared>>) offsets(%dma_start3A_381 : memref<40xi32, #tpu.memory_space<vmem>>) semaphore(%arg10 : memref<!tpu.dma_semaphore, #tpu.memory_space<semaphore_mem>>) {add = true}
      %dma_start3A_385 = arith.constant 3 : i32
      %dma_start3A_386 = arith.constant 1 : i32
      %dma_start3A_387 = arith.constant 120 : i32
      %dma_start3A_388 = arith.constant 0 : i32
      %dma_start3A_389 = tpu.memref_slice %arg5[%dma_start3A_387, %dma_start3A_388] : memref<200x128xf32, #tpu.memory_space<vmem>> -> memref<40x128xf32, #tpu.memory_space<vmem>>
      %dma_start3A_390 = arith.constant 0 : i32
      %dma_start3A_391 = tpu.memref_slice %arg6[%dma_start3A_385, %dma_start3A_386, %dma_start3A_390] : memref<5x2x40xi32, #tpu.memory_space<vmem>> -> memref<1x1x40xi32, #tpu.memory_space<vmem>>
      %dma_start3A_392 = tpu.memref_squeeze %dma_start3A_391 : memref<1x1x40xi32, #tpu.memory_space<vmem>> -> memref<40xi32, #tpu.memory_space<vmem>>
      %dma_start3A_393 = arith.constant 0 : i32
      %dma_start3A_394 = arith.constant 0 : i32
      %dma_start3A_395 = tpu.memref_slice %arg8[%dma_start3A_393, %dma_start3A_394] : memref<10000x128xf32, #tpu.memory_space<vmem_shared>> -> memref<10000x128xf32, #tpu.memory_space<vmem_shared>>
      tpu.enqueue_indirect_dma source(%dma_start3A_389 : memref<40x128xf32, #tpu.memory_space<vmem>>) target(%dma_start3A_395 : memref<10000x128xf32, #tpu.memory_space<vmem_shared>>) offsets(%dma_start3A_392 : memref<40xi32, #tpu.memory_space<vmem>>) semaphore(%arg10 : memref<!tpu.dma_semaphore, #tpu.memory_space<semaphore_mem>>) {add = true}
      %dma_start3A_396 = arith.constant 4 : i32
      %dma_start3A_397 = arith.constant 1 : i32
      %dma_start3A_398 = arith.constant 160 : i32
      %dma_start3A_399 = arith.constant 0 : i32
      %dma_start3A_400 = tpu.memref_slice %arg5[%dma_start3A_398, %dma_start3A_399] : memref<200x128xf32, #tpu.memory_space<vmem>> -> memref<40x128xf32, #tpu.memory_space<vmem>>
      %dma_start3A_401 = arith.constant 0 : i32
      %dma_start3A_402 = tpu.memref_slice %arg6[%dma_start3A_396, %dma_start3A_397, %dma_start3A_401] : memref<5x2x40xi32, #tpu.memory_space<vmem>> -> memref<1x1x40xi32, #tpu.memory_space<vmem>>
      %dma_start3A_403 = tpu.memref_squeeze %dma_start3A_402 : memref<1x1x40xi32, #tpu.memory_space<vmem>> -> memref<40xi32, #tpu.memory_space<vmem>>
      %dma_start3A_404 = arith.constant 0 : i32
      %dma_start3A_405 = arith.constant 0 : i32
      %dma_start3A_406 = tpu.memref_slice %arg8[%dma_start3A_404, %dma_start3A_405] : memref<10000x128xf32, #tpu.memory_space<vmem_shared>> -> memref<10000x128xf32, #tpu.memory_space<vmem_shared>>
      tpu.enqueue_indirect_dma source(%dma_start3A_400 : memref<40x128xf32, #tpu.memory_space<vmem>>) target(%dma_start3A_406 : memref<10000x128xf32, #tpu.memory_space<vmem_shared>>) offsets(%dma_start3A_403 : memref<40xi32, #tpu.memory_space<vmem>>) semaphore(%arg10 : memref<!tpu.dma_semaphore, #tpu.memory_space<semaphore_mem>>) {add = true}
      %dma_wait3A_407 = arith.constant 0 : i32
      %dma_wait3A_408 = arith.constant 0 : i32
      %dma_wait3A_409 = tpu.memref_slice %arg5[%dma_wait3A_407, %dma_wait3A_408] : memref<200x128xf32, #tpu.memory_space<vmem>> -> memref<200x128xf32, #tpu.memory_space<vmem>>
      %dma_wait3A_410 = arith.constant 0 : i32
      %dma_wait3A_411 = arith.constant 0 : i32
      %dma_wait3A_412 = tpu.memref_slice %arg2[%dma_wait3A_410, %dma_wait3A_411] : memref<10000x128xf32, #tpu.memory_space<hbm>> -> memref<200x128xf32, #tpu.memory_space<hbm>>
      %dma_wait3A_413 = arith.constant 0 : i32
      %dma_wait3A_414 = arith.constant 0 : i32
      %dma_wait3A_415 = tpu.memref_slice %arg5[%dma_wait3A_413, %dma_wait3A_414] : memref<200x128xf32, #tpu.memory_space<vmem>> -> memref<200x128xf32, #tpu.memory_space<vmem>>
      %dma_wait3A_416 = arith.constant 0 : i32
      %dma_wait3A_417 = arith.constant 0 : i32
      %dma_wait3A_418 = tpu.memref_slice %arg2[%dma_wait3A_416, %dma_wait3A_417] : memref<10000x128xf32, #tpu.memory_space<hbm>> -> memref<200x128xf32, #tpu.memory_space<hbm>>
      tpu.wait_dma2 semaphore(%arg10 : memref<!tpu.dma_semaphore, #tpu.memory_space<semaphore_mem>>) src(%dma_wait3A_418 : memref<200x128xf32, #tpu.memory_space<hbm>>) dst(%dma_wait3A_415 : memref<200x128xf32, #tpu.memory_space<vmem>>)
      %add3A_419 = arith.constant 2 : i32
      %add3A_420 = arith.addi %add3A_339, %add3A_419 : i32
      %dma_start3A_421 = arith.constant 0 : i32
      %dma_start3A_422 = arith.constant 0 : i32
      %dma_start3A_423 = arith.constant 0 : i32
      %dma_start3A_424 = tpu.memref_slice %arg3[%add3A, %add3A_420, %dma_start3A_421, %dma_start3A_422, %dma_start3A_423] : memref<32x50x5x2x40xi32, #tpu.memory_space<hbm>> -> memref<1x1x5x2x40xi32, #tpu.memory_space<hbm>>
      %dma_start3A_425 = tpu.memref_squeeze %dma_start3A_424 : memref<1x1x5x2x40xi32, #tpu.memory_space<hbm>> -> memref<5x2x40xi32, #tpu.memory_space<hbm>>
      %dma_start3A_426 = arith.constant 0 : i32
      %dma_start3A_427 = arith.constant 0 : i32
      %dma_start3A_428 = arith.constant 0 : i32
      %dma_start3A_429 = tpu.memref_slice %arg3[%add3A, %add3A_420, %dma_start3A_426, %dma_start3A_427, %dma_start3A_428] : memref<32x50x5x2x40xi32, #tpu.memory_space<hbm>> -> memref<1x1x5x2x40xi32, #tpu.memory_space<hbm>>
      %dma_start3A_430 = tpu.memref_squeeze %dma_start3A_429 : memref<1x1x5x2x40xi32, #tpu.memory_space<hbm>> -> memref<5x2x40xi32, #tpu.memory_space<hbm>>
      tpu.enqueue_dma source(%dma_start3A_430 : memref<5x2x40xi32, #tpu.memory_space<hbm>>) target(%arg6 : memref<5x2x40xi32, #tpu.memory_space<vmem>>) target_semaphore(%arg11 : memref<!tpu.dma_semaphore, #tpu.memory_space<semaphore_mem>>)
      %dma_wait3A_431 = arith.constant 0 : i32
      %dma_wait3A_432 = arith.constant 0 : i32
      %dma_wait3A_433 = arith.constant 0 : i32
      %dma_wait3A_434 = arith.constant 0 : i32
      %dma_wait3A_435 = tpu.memref_slice %arg3[%add3A, %dma_wait3A_431, %dma_wait3A_432, %dma_wait3A_433, %dma_wait3A_434] : memref<32x50x5x2x40xi32, #tpu.memory_space<hbm>> -> memref<1x1x5x2x40xi32, #tpu.memory_space<hbm>>
      %dma_wait3A_436 = tpu.memref_squeeze %dma_wait3A_435 : memref<1x1x5x2x40xi32, #tpu.memory_space<hbm>> -> memref<5x2x40xi32, #tpu.memory_space<hbm>>
      %dma_wait3A_437 = arith.constant 0 : i32
      %dma_wait3A_438 = arith.constant 0 : i32
      %dma_wait3A_439 = arith.constant 0 : i32
      %dma_wait3A_440 = tpu.memref_slice %arg3[%add3A, %dma_wait3A_431, %dma_wait3A_437, %dma_wait3A_438, %dma_wait3A_439] : memref<32x50x5x2x40xi32, #tpu.memory_space<hbm>> -> memref<1x1x5x2x40xi32, #tpu.memory_space<hbm>>
      %dma_wait3A_441 = tpu.memref_squeeze %dma_wait3A_440 : memref<1x1x5x2x40xi32, #tpu.memory_space<hbm>> -> memref<5x2x40xi32, #tpu.memory_space<hbm>>
      tpu.wait_dma2 semaphore(%arg12 : memref<!tpu.dma_semaphore, #tpu.memory_space<semaphore_mem>>) src(%dma_wait3A_441 : memref<5x2x40xi32, #tpu.memory_space<hbm>>) dst(%arg7 : memref<5x2x40xi32, #tpu.memory_space<vmem>>)
      %dma_start3A_442 = arith.constant 0 : i32
      %dma_start3A_443 = arith.constant 0 : i32
      %dma_start3A_444 = arith.constant 0 : i32
      %dma_start3A_445 = arith.constant 0 : i32
      %dma_start3A_446 = tpu.memref_slice %arg5[%dma_start3A_444, %dma_start3A_445] : memref<200x128xf32, #tpu.memory_space<vmem>> -> memref<40x128xf32, #tpu.memory_space<vmem>>
      %dma_start3A_447 = arith.constant 0 : i32
      %dma_start3A_448 = tpu.memref_slice %arg7[%dma_start3A_442, %dma_start3A_443, %dma_start3A_447] : memref<5x2x40xi32, #tpu.memory_space<vmem>> -> memref<1x1x40xi32, #tpu.memory_space<vmem>>
      %dma_start3A_449 = tpu.memref_squeeze %dma_start3A_448 : memref<1x1x40xi32, #tpu.memory_space<vmem>> -> memref<40xi32, #tpu.memory_space<vmem>>
      %dma_start3A_450 = arith.constant 0 : i32
      %dma_start3A_451 = arith.constant 0 : i32
      %dma_start3A_452 = tpu.memref_slice %arg2[%dma_start3A_450, %dma_start3A_451] : memref<10000x128xf32, #tpu.memory_space<hbm>> -> memref<10000x128xf32, #tpu.memory_space<hbm>>
      tpu.enqueue_indirect_dma source(%dma_start3A_452 : memref<10000x128xf32, #tpu.memory_space<hbm>>) target(%dma_start3A_446 : memref<40x128xf32, #tpu.memory_space<vmem>>) offsets(%dma_start3A_449 : memref<40xi32, #tpu.memory_space<vmem>>) semaphore(%arg9 : memref<!tpu.dma_semaphore, #tpu.memory_space<semaphore_mem>>)
      %dma_start3A_453 = arith.constant 1 : i32
      %dma_start3A_454 = arith.constant 0 : i32
      %dma_start3A_455 = arith.constant 40 : i32
      %dma_start3A_456 = arith.constant 0 : i32
      %dma_start3A_457 = tpu.memref_slice %arg5[%dma_start3A_455, %dma_start3A_456] : memref<200x128xf32, #tpu.memory_space<vmem>> -> memref<40x128xf32, #tpu.memory_space<vmem>>
      %dma_start3A_458 = arith.constant 0 : i32
      %dma_start3A_459 = tpu.memref_slice %arg7[%dma_start3A_453, %dma_start3A_454, %dma_start3A_458] : memref<5x2x40xi32, #tpu.memory_space<vmem>> -> memref<1x1x40xi32, #tpu.memory_space<vmem>>
      %dma_start3A_460 = tpu.memref_squeeze %dma_start3A_459 : memref<1x1x40xi32, #tpu.memory_space<vmem>> -> memref<40xi32, #tpu.memory_space<vmem>>
      %dma_start3A_461 = arith.constant 0 : i32
      %dma_start3A_462 = arith.constant 0 : i32
      %dma_start3A_463 = tpu.memref_slice %arg2[%dma_start3A_461, %dma_start3A_462] : memref<10000x128xf32, #tpu.memory_space<hbm>> -> memref<10000x128xf32, #tpu.memory_space<hbm>>
      tpu.enqueue_indirect_dma source(%dma_start3A_463 : memref<10000x128xf32, #tpu.memory_space<hbm>>) target(%dma_start3A_457 : memref<40x128xf32, #tpu.memory_space<vmem>>) offsets(%dma_start3A_460 : memref<40xi32, #tpu.memory_space<vmem>>) semaphore(%arg9 : memref<!tpu.dma_semaphore, #tpu.memory_space<semaphore_mem>>)
      %dma_start3A_464 = arith.constant 2 : i32
      %dma_start3A_465 = arith.constant 0 : i32
      %dma_start3A_466 = arith.constant 80 : i32
      %dma_start3A_467 = arith.constant 0 : i32
      %dma_start3A_468 = tpu.memref_slice %arg5[%dma_start3A_466, %dma_start3A_467] : memref<200x128xf32, #tpu.memory_space<vmem>> -> memref<40x128xf32, #tpu.memory_space<vmem>>
      %dma_start3A_469 = arith.constant 0 : i32
      %dma_start3A_470 = tpu.memref_slice %arg7[%dma_start3A_464, %dma_start3A_465, %dma_start3A_469] : memref<5x2x40xi32, #tpu.memory_space<vmem>> -> memref<1x1x40xi32, #tpu.memory_space<vmem>>
      %dma_start3A_471 = tpu.memref_squeeze %dma_start3A_470 : memref<1x1x40xi32, #tpu.memory_space<vmem>> -> memref<40xi32, #tpu.memory_space<vmem>>
      %dma_start3A_472 = arith.constant 0 : i32
      %dma_start3A_473 = arith.constant 0 : i32
      %dma_start3A_474 = tpu.memref_slice %arg2[%dma_start3A_472, %dma_start3A_473] : memref<10000x128xf32, #tpu.memory_space<hbm>> -> memref<10000x128xf32, #tpu.memory_space<hbm>>
      tpu.enqueue_indirect_dma source(%dma_start3A_474 : memref<10000x128xf32, #tpu.memory_space<hbm>>) target(%dma_start3A_468 : memref<40x128xf32, #tpu.memory_space<vmem>>) offsets(%dma_start3A_471 : memref<40xi32, #tpu.memory_space<vmem>>) semaphore(%arg9 : memref<!tpu.dma_semaphore, #tpu.memory_space<semaphore_mem>>)
      %dma_start3A_475 = arith.constant 3 : i32
      %dma_start3A_476 = arith.constant 0 : i32
      %dma_start3A_477 = arith.constant 120 : i32
      %dma_start3A_478 = arith.constant 0 : i32
      %dma_start3A_479 = tpu.memref_slice %arg5[%dma_start3A_477, %dma_start3A_478] : memref<200x128xf32, #tpu.memory_space<vmem>> -> memref<40x128xf32, #tpu.memory_space<vmem>>
      %dma_start3A_480 = arith.constant 0 : i32
      %dma_start3A_481 = tpu.memref_slice %arg7[%dma_start3A_475, %dma_start3A_476, %dma_start3A_480] : memref<5x2x40xi32, #tpu.memory_space<vmem>> -> memref<1x1x40xi32, #tpu.memory_space<vmem>>
      %dma_start3A_482 = tpu.memref_squeeze %dma_start3A_481 : memref<1x1x40xi32, #tpu.memory_space<vmem>> -> memref<40xi32, #tpu.memory_space<vmem>>
      %dma_start3A_483 = arith.constant 0 : i32
      %dma_start3A_484 = arith.constant 0 : i32
      %dma_start3A_485 = tpu.memref_slice %arg2[%dma_start3A_483, %dma_start3A_484] : memref<10000x128xf32, #tpu.memory_space<hbm>> -> memref<10000x128xf32, #tpu.memory_space<hbm>>
      tpu.enqueue_indirect_dma source(%dma_start3A_485 : memref<10000x128xf32, #tpu.memory_space<hbm>>) target(%dma_start3A_479 : memref<40x128xf32, #tpu.memory_space<vmem>>) offsets(%dma_start3A_482 : memref<40xi32, #tpu.memory_space<vmem>>) semaphore(%arg9 : memref<!tpu.dma_semaphore, #tpu.memory_space<semaphore_mem>>)
      %dma_start3A_486 = arith.constant 4 : i32
      %dma_start3A_487 = arith.constant 0 : i32
      %dma_start3A_488 = arith.constant 160 : i32
      %dma_start3A_489 = arith.constant 0 : i32
      %dma_start3A_490 = tpu.memref_slice %arg5[%dma_start3A_488, %dma_start3A_489] : memref<200x128xf32, #tpu.memory_space<vmem>> -> memref<40x128xf32, #tpu.memory_space<vmem>>
      %dma_start3A_491 = arith.constant 0 : i32
      %dma_start3A_492 = tpu.memref_slice %arg7[%dma_start3A_486, %dma_start3A_487, %dma_start3A_491] : memref<5x2x40xi32, #tpu.memory_space<vmem>> -> memref<1x1x40xi32, #tpu.memory_space<vmem>>
      %dma_start3A_493 = tpu.memref_squeeze %dma_start3A_492 : memref<1x1x40xi32, #tpu.memory_space<vmem>> -> memref<40xi32, #tpu.memory_space<vmem>>
      %dma_start3A_494 = arith.constant 0 : i32
      %dma_start3A_495 = arith.constant 0 : i32
      %dma_start3A_496 = tpu.memref_slice %arg2[%dma_start3A_494, %dma_start3A_495] : memref<10000x128xf32, #tpu.memory_space<hbm>> -> memref<10000x128xf32, #tpu.memory_space<hbm>>
      tpu.enqueue_indirect_dma source(%dma_start3A_496 : memref<10000x128xf32, #tpu.memory_space<hbm>>) target(%dma_start3A_490 : memref<40x128xf32, #tpu.memory_space<vmem>>) offsets(%dma_start3A_493 : memref<40xi32, #tpu.memory_space<vmem>>) semaphore(%arg9 : memref<!tpu.dma_semaphore, #tpu.memory_space<semaphore_mem>>)
      %mul3A_497 = arith.constant 2 : i32
      %mul3A_498 = arith.muli %mul3A_497, %scan3A_335 : i32
      %add3A_499 = arith.constant 1 : i32
      %add3A_500 = arith.addi %mul3A_498, %add3A_499 : i32
      %dma_wait3A_501 = arith.constant 0 : i32
      %dma_wait3A_502 = arith.constant 0 : i32
      %dma_wait3A_503 = tpu.memref_slice %arg5[%dma_wait3A_501, %dma_wait3A_502] : memref<200x128xf32, #tpu.memory_space<vmem>> -> memref<200x128xf32, #tpu.memory_space<vmem>>
      %dma_wait3A_504 = arith.constant 0 : i32
      %dma_wait3A_505 = arith.constant 0 : i32
      %dma_wait3A_506 = tpu.memref_slice %arg2[%dma_wait3A_504, %dma_wait3A_505] : memref<10000x128xf32, #tpu.memory_space<hbm>> -> memref<200x128xf32, #tpu.memory_space<hbm>>
      %dma_wait3A_507 = arith.constant 0 : i32
      %dma_wait3A_508 = arith.constant 0 : i32
      %dma_wait3A_509 = tpu.memref_slice %arg5[%dma_wait3A_507, %dma_wait3A_508] : memref<200x128xf32, #tpu.memory_space<vmem>> -> memref<200x128xf32, #tpu.memory_space<vmem>>
      %dma_wait3A_510 = arith.constant 0 : i32
      %dma_wait3A_511 = arith.constant 0 : i32
      %dma_wait3A_512 = tpu.memref_slice %arg2[%dma_wait3A_510, %dma_wait3A_511] : memref<10000x128xf32, #tpu.memory_space<hbm>> -> memref<200x128xf32, #tpu.memory_space<hbm>>
      tpu.wait_dma2 semaphore(%arg9 : memref<!tpu.dma_semaphore, #tpu.memory_space<semaphore_mem>>) src(%dma_wait3A_512 : memref<200x128xf32, #tpu.memory_space<hbm>>) dst(%dma_wait3A_509 : memref<200x128xf32, #tpu.memory_space<vmem>>)
      %dma_start3A_513 = arith.constant 0 : i32
      %dma_start3A_514 = arith.constant 1 : i32
      %dma_start3A_515 = arith.constant 0 : i32
      %dma_start3A_516 = arith.constant 0 : i32
      %dma_start3A_517 = tpu.memref_slice %arg5[%dma_start3A_515, %dma_start3A_516] : memref<200x128xf32, #tpu.memory_space<vmem>> -> memref<40x128xf32, #tpu.memory_space<vmem>>
      %dma_start3A_518 = arith.constant 0 : i32
      %dma_start3A_519 = tpu.memref_slice %arg7[%dma_start3A_513, %dma_start3A_514, %dma_start3A_518] : memref<5x2x40xi32, #tpu.memory_space<vmem>> -> memref<1x1x40xi32, #tpu.memory_space<vmem>>
      %dma_start3A_520 = tpu.memref_squeeze %dma_start3A_519 : memref<1x1x40xi32, #tpu.memory_space<vmem>> -> memref<40xi32, #tpu.memory_space<vmem>>
      %dma_start3A_521 = arith.constant 0 : i32
      %dma_start3A_522 = arith.constant 0 : i32
      %dma_start3A_523 = tpu.memref_slice %arg8[%dma_start3A_521, %dma_start3A_522] : memref<10000x128xf32, #tpu.memory_space<vmem_shared>> -> memref<10000x128xf32, #tpu.memory_space<vmem_shared>>
      tpu.enqueue_indirect_dma source(%dma_start3A_517 : memref<40x128xf32, #tpu.memory_space<vmem>>) target(%dma_start3A_523 : memref<10000x128xf32, #tpu.memory_space<vmem_shared>>) offsets(%dma_start3A_520 : memref<40xi32, #tpu.memory_space<vmem>>) semaphore(%arg10 : memref<!tpu.dma_semaphore, #tpu.memory_space<semaphore_mem>>) {add = true}
      %dma_start3A_524 = arith.constant 1 : i32
      %dma_start3A_525 = arith.constant 1 : i32
      %dma_start3A_526 = arith.constant 40 : i32
      %dma_start3A_527 = arith.constant 0 : i32
      %dma_start3A_528 = tpu.memref_slice %arg5[%dma_start3A_526, %dma_start3A_527] : memref<200x128xf32, #tpu.memory_space<vmem>> -> memref<40x128xf32, #tpu.memory_space<vmem>>
      %dma_start3A_529 = arith.constant 0 : i32
      %dma_start3A_530 = tpu.memref_slice %arg7[%dma_start3A_524, %dma_start3A_525, %dma_start3A_529] : memref<5x2x40xi32, #tpu.memory_space<vmem>> -> memref<1x1x40xi32, #tpu.memory_space<vmem>>
      %dma_start3A_531 = tpu.memref_squeeze %dma_start3A_530 : memref<1x1x40xi32, #tpu.memory_space<vmem>> -> memref<40xi32, #tpu.memory_space<vmem>>
      %dma_start3A_532 = arith.constant 0 : i32
      %dma_start3A_533 = arith.constant 0 : i32
      %dma_start3A_534 = tpu.memref_slice %arg8[%dma_start3A_532, %dma_start3A_533] : memref<10000x128xf32, #tpu.memory_space<vmem_shared>> -> memref<10000x128xf32, #tpu.memory_space<vmem_shared>>
      tpu.enqueue_indirect_dma source(%dma_start3A_528 : memref<40x128xf32, #tpu.memory_space<vmem>>) target(%dma_start3A_534 : memref<10000x128xf32, #tpu.memory_space<vmem_shared>>) offsets(%dma_start3A_531 : memref<40xi32, #tpu.memory_space<vmem>>) semaphore(%arg10 : memref<!tpu.dma_semaphore, #tpu.memory_space<semaphore_mem>>) {add = true}
      %dma_start3A_535 = arith.constant 2 : i32
      %dma_start3A_536 = arith.constant 1 : i32
      %dma_start3A_537 = arith.constant 80 : i32
      %dma_start3A_538 = arith.constant 0 : i32
      %dma_start3A_539 = tpu.memref_slice %arg5[%dma_start3A_537, %dma_start3A_538] : memref<200x128xf32, #tpu.memory_space<vmem>> -> memref<40x128xf32, #tpu.memory_space<vmem>>
      %dma_start3A_540 = arith.constant 0 : i32
      %dma_start3A_541 = tpu.memref_slice %arg7[%dma_start3A_535, %dma_start3A_536, %dma_start3A_540] : memref<5x2x40xi32, #tpu.memory_space<vmem>> -> memref<1x1x40xi32, #tpu.memory_space<vmem>>
      %dma_start3A_542 = tpu.memref_squeeze %dma_start3A_541 : memref<1x1x40xi32, #tpu.memory_space<vmem>> -> memref<40xi32, #tpu.memory_space<vmem>>
      %dma_start3A_543 = arith.constant 0 : i32
      %dma_start3A_544 = arith.constant 0 : i32
      %dma_start3A_545 = tpu.memref_slice %arg8[%dma_start3A_543, %dma_start3A_544] : memref<10000x128xf32, #tpu.memory_space<vmem_shared>> -> memref<10000x128xf32, #tpu.memory_space<vmem_shared>>
      tpu.enqueue_indirect_dma source(%dma_start3A_539 : memref<40x128xf32, #tpu.memory_space<vmem>>) target(%dma_start3A_545 : memref<10000x128xf32, #tpu.memory_space<vmem_shared>>) offsets(%dma_start3A_542 : memref<40xi32, #tpu.memory_space<vmem>>) semaphore(%arg10 : memref<!tpu.dma_semaphore, #tpu.memory_space<semaphore_mem>>) {add = true}
      %dma_start3A_546 = arith.constant 3 : i32
      %dma_start3A_547 = arith.constant 1 : i32
      %dma_start3A_548 = arith.constant 120 : i32
      %dma_start3A_549 = arith.constant 0 : i32
      %dma_start3A_550 = tpu.memref_slice %arg5[%dma_start3A_548, %dma_start3A_549] : memref<200x128xf32, #tpu.memory_space<vmem>> -> memref<40x128xf32, #tpu.memory_space<vmem>>
      %dma_start3A_551 = arith.constant 0 : i32
      %dma_start3A_552 = tpu.memref_slice %arg7[%dma_start3A_546, %dma_start3A_547, %dma_start3A_551] : memref<5x2x40xi32, #tpu.memory_space<vmem>> -> memref<1x1x40xi32, #tpu.memory_space<vmem>>
      %dma_start3A_553 = tpu.memref_squeeze %dma_start3A_552 : memref<1x1x40xi32, #tpu.memory_space<vmem>> -> memref<40xi32, #tpu.memory_space<vmem>>
      %dma_start3A_554 = arith.constant 0 : i32
      %dma_start3A_555 = arith.constant 0 : i32
      %dma_start3A_556 = tpu.memref_slice %arg8[%dma_start3A_554, %dma_start3A_555] : memref<10000x128xf32, #tpu.memory_space<vmem_shared>> -> memref<10000x128xf32, #tpu.memory_space<vmem_shared>>
      tpu.enqueue_indirect_dma source(%dma_start3A_550 : memref<40x128xf32, #tpu.memory_space<vmem>>) target(%dma_start3A_556 : memref<10000x128xf32, #tpu.memory_space<vmem_shared>>) offsets(%dma_start3A_553 : memref<40xi32, #tpu.memory_space<vmem>>) semaphore(%arg10 : memref<!tpu.dma_semaphore, #tpu.memory_space<semaphore_mem>>) {add = true}
      %dma_start3A_557 = arith.constant 4 : i32
      %dma_start3A_558 = arith.constant 1 : i32
      %dma_start3A_559 = arith.constant 160 : i32
      %dma_start3A_560 = arith.constant 0 : i32
      %dma_start3A_561 = tpu.memref_slice %arg5[%dma_start3A_559, %dma_start3A_560] : memref<200x128xf32, #tpu.memory_space<vmem>> -> memref<40x128xf32, #tpu.memory_space<vmem>>
      %dma_start3A_562 = arith.constant 0 : i32
      %dma_start3A_563 = tpu.memref_slice %arg7[%dma_start3A_557, %dma_start3A_558, %dma_start3A_562] : memref<5x2x40xi32, #tpu.memory_space<vmem>> -> memref<1x1x40xi32, #tpu.memory_space<vmem>>
      %dma_start3A_564 = tpu.memref_squeeze %dma_start3A_563 : memref<1x1x40xi32, #tpu.memory_space<vmem>> -> memref<40xi32, #tpu.memory_space<vmem>>
      %dma_start3A_565 = arith.constant 0 : i32
      %dma_start3A_566 = arith.constant 0 : i32
      %dma_start3A_567 = tpu.memref_slice %arg8[%dma_start3A_565, %dma_start3A_566] : memref<10000x128xf32, #tpu.memory_space<vmem_shared>> -> memref<10000x128xf32, #tpu.memory_space<vmem_shared>>
      tpu.enqueue_indirect_dma source(%dma_start3A_561 : memref<40x128xf32, #tpu.memory_space<vmem>>) target(%dma_start3A_567 : memref<10000x128xf32, #tpu.memory_space<vmem_shared>>) offsets(%dma_start3A_564 : memref<40xi32, #tpu.memory_space<vmem>>) semaphore(%arg10 : memref<!tpu.dma_semaphore, #tpu.memory_space<semaphore_mem>>) {add = true}
      %dma_wait3A_568 = arith.constant 0 : i32
      %dma_wait3A_569 = arith.constant 0 : i32
      %dma_wait3A_570 = tpu.memref_slice %arg5[%dma_wait3A_568, %dma_wait3A_569] : memref<200x128xf32, #tpu.memory_space<vmem>> -> memref<200x128xf32, #tpu.memory_space<vmem>>
      %dma_wait3A_571 = arith.constant 0 : i32
      %dma_wait3A_572 = arith.constant 0 : i32
      %dma_wait3A_573 = tpu.memref_slice %arg2[%dma_wait3A_571, %dma_wait3A_572] : memref<10000x128xf32, #tpu.memory_space<hbm>> -> memref<200x128xf32, #tpu.memory_space<hbm>>
      %dma_wait3A_574 = arith.constant 0 : i32
      %dma_wait3A_575 = arith.constant 0 : i32
      %dma_wait3A_576 = tpu.memref_slice %arg5[%dma_wait3A_574, %dma_wait3A_575] : memref<200x128xf32, #tpu.memory_space<vmem>> -> memref<200x128xf32, #tpu.memory_space<vmem>>
      %dma_wait3A_577 = arith.constant 0 : i32
      %dma_wait3A_578 = arith.constant 0 : i32
      %dma_wait3A_579 = tpu.memref_slice %arg2[%dma_wait3A_577, %dma_wait3A_578] : memref<10000x128xf32, #tpu.memory_space<hbm>> -> memref<200x128xf32, #tpu.memory_space<hbm>>
      tpu.wait_dma2 semaphore(%arg10 : memref<!tpu.dma_semaphore, #tpu.memory_space<semaphore_mem>>) src(%dma_wait3A_579 : memref<200x128xf32, #tpu.memory_space<hbm>>) dst(%dma_wait3A_576 : memref<200x128xf32, #tpu.memory_space<vmem>>)
      %add3A_580 = arith.constant 2 : i32
      %add3A_581 = arith.addi %add3A_500, %add3A_580 : i32
      %dma_start3A_582 = arith.constant 0 : i32
      %dma_start3A_583 = arith.constant 0 : i32
      %dma_start3A_584 = arith.constant 0 : i32
      %dma_start3A_585 = tpu.memref_slice %arg3[%add3A, %add3A_581, %dma_start3A_582, %dma_start3A_583, %dma_start3A_584] : memref<32x50x5x2x40xi32, #tpu.memory_space<hbm>> -> memref<1x1x5x2x40xi32, #tpu.memory_space<hbm>>
      %dma_start3A_586 = tpu.memref_squeeze %dma_start3A_585 : memref<1x1x5x2x40xi32, #tpu.memory_space<hbm>> -> memref<5x2x40xi32, #tpu.memory_space<hbm>>
      %dma_start3A_587 = arith.constant 0 : i32
      %dma_start3A_588 = arith.constant 0 : i32
      %dma_start3A_589 = arith.constant 0 : i32
      %dma_start3A_590 = tpu.memref_slice %arg3[%add3A, %add3A_581, %dma_start3A_587, %dma_start3A_588, %dma_start3A_589] : memref<32x50x5x2x40xi32, #tpu.memory_space<hbm>> -> memref<1x1x5x2x40xi32, #tpu.memory_space<hbm>>
      %dma_start3A_591 = tpu.memref_squeeze %dma_start3A_590 : memref<1x1x5x2x40xi32, #tpu.memory_space<hbm>> -> memref<5x2x40xi32, #tpu.memory_space<hbm>>
      tpu.enqueue_dma source(%dma_start3A_591 : memref<5x2x40xi32, #tpu.memory_space<hbm>>) target(%arg7 : memref<5x2x40xi32, #tpu.memory_space<vmem>>) target_semaphore(%arg12 : memref<!tpu.dma_semaphore, #tpu.memory_space<semaphore_mem>>)
      %dma_wait3A_592 = arith.constant 0 : i32
      %dma_wait3A_593 = arith.constant 0 : i32
      %dma_wait3A_594 = arith.constant 0 : i32
      %dma_wait3A_595 = arith.constant 0 : i32
      %dma_wait3A_596 = tpu.memref_slice %arg3[%add3A, %dma_wait3A_592, %dma_wait3A_593, %dma_wait3A_594, %dma_wait3A_595] : memref<32x50x5x2x40xi32, #tpu.memory_space<hbm>> -> memref<1x1x5x2x40xi32, #tpu.memory_space<hbm>>
      %dma_wait3A_597 = tpu.memref_squeeze %dma_wait3A_596 : memref<1x1x5x2x40xi32, #tpu.memory_space<hbm>> -> memref<5x2x40xi32, #tpu.memory_space<hbm>>
      %dma_wait3A_598 = arith.constant 0 : i32
      %dma_wait3A_599 = arith.constant 0 : i32
      %dma_wait3A_600 = arith.constant 0 : i32
      %dma_wait3A_601 = tpu.memref_slice %arg3[%add3A, %dma_wait3A_592, %dma_wait3A_598, %dma_wait3A_599, %dma_wait3A_600] : memref<32x50x5x2x40xi32, #tpu.memory_space<hbm>> -> memref<1x1x5x2x40xi32, #tpu.memory_space<hbm>>
      %dma_wait3A_602 = tpu.memref_squeeze %dma_wait3A_601 : memref<1x1x5x2x40xi32, #tpu.memory_space<hbm>> -> memref<5x2x40xi32, #tpu.memory_space<hbm>>
      tpu.wait_dma2 semaphore(%arg11 : memref<!tpu.dma_semaphore, #tpu.memory_space<semaphore_mem>>) src(%dma_wait3A_602 : memref<5x2x40xi32, #tpu.memory_space<hbm>>) dst(%arg6 : memref<5x2x40xi32, #tpu.memory_space<vmem>>)
      %dma_start3A_603 = arith.constant 0 : i32
      %dma_start3A_604 = arith.constant 0 : i32
      %dma_start3A_605 = arith.constant 0 : i32
      %dma_start3A_606 = arith.constant 0 : i32
      %dma_start3A_607 = tpu.memref_slice %arg5[%dma_start3A_605, %dma_start3A_606] : memref<200x128xf32, #tpu.memory_space<vmem>> -> memref<40x128xf32, #tpu.memory_space<vmem>>
      %dma_start3A_608 = arith.constant 0 : i32
      %dma_start3A_609 = tpu.memref_slice %arg6[%dma_start3A_603, %dma_start3A_604, %dma_start3A_608] : memref<5x2x40xi32, #tpu.memory_space<vmem>> -> memref<1x1x40xi32, #tpu.memory_space<vmem>>
      %dma_start3A_610 = tpu.memref_squeeze %dma_start3A_609 : memref<1x1x40xi32, #tpu.memory_space<vmem>> -> memref<40xi32, #tpu.memory_space<vmem>>
      %dma_start3A_611 = arith.constant 0 : i32
      %dma_start3A_612 = arith.constant 0 : i32
      %dma_start3A_613 = tpu.memref_slice %arg2[%dma_start3A_611, %dma_start3A_612] : memref<10000x128xf32, #tpu.memory_space<hbm>> -> memref<10000x128xf32, #tpu.memory_space<hbm>>
      tpu.enqueue_indirect_dma source(%dma_start3A_613 : memref<10000x128xf32, #tpu.memory_space<hbm>>) target(%dma_start3A_607 : memref<40x128xf32, #tpu.memory_space<vmem>>) offsets(%dma_start3A_610 : memref<40xi32, #tpu.memory_space<vmem>>) semaphore(%arg9 : memref<!tpu.dma_semaphore, #tpu.memory_space<semaphore_mem>>)
      %dma_start3A_614 = arith.constant 1 : i32
      %dma_start3A_615 = arith.constant 0 : i32
      %dma_start3A_616 = arith.constant 40 : i32
      %dma_start3A_617 = arith.constant 0 : i32
      %dma_start3A_618 = tpu.memref_slice %arg5[%dma_start3A_616, %dma_start3A_617] : memref<200x128xf32, #tpu.memory_space<vmem>> -> memref<40x128xf32, #tpu.memory_space<vmem>>
      %dma_start3A_619 = arith.constant 0 : i32
      %dma_start3A_620 = tpu.memref_slice %arg6[%dma_start3A_614, %dma_start3A_615, %dma_start3A_619] : memref<5x2x40xi32, #tpu.memory_space<vmem>> -> memref<1x1x40xi32, #tpu.memory_space<vmem>>
      %dma_start3A_621 = tpu.memref_squeeze %dma_start3A_620 : memref<1x1x40xi32, #tpu.memory_space<vmem>> -> memref<40xi32, #tpu.memory_space<vmem>>
      %dma_start3A_622 = arith.constant 0 : i32
      %dma_start3A_623 = arith.constant 0 : i32
      %dma_start3A_624 = tpu.memref_slice %arg2[%dma_start3A_622, %dma_start3A_623] : memref<10000x128xf32, #tpu.memory_space<hbm>> -> memref<10000x128xf32, #tpu.memory_space<hbm>>
      tpu.enqueue_indirect_dma source(%dma_start3A_624 : memref<10000x128xf32, #tpu.memory_space<hbm>>) target(%dma_start3A_618 : memref<40x128xf32, #tpu.memory_space<vmem>>) offsets(%dma_start3A_621 : memref<40xi32, #tpu.memory_space<vmem>>) semaphore(%arg9 : memref<!tpu.dma_semaphore, #tpu.memory_space<semaphore_mem>>)
      %dma_start3A_625 = arith.constant 2 : i32
      %dma_start3A_626 = arith.constant 0 : i32
      %dma_start3A_627 = arith.constant 80 : i32
      %dma_start3A_628 = arith.constant 0 : i32
      %dma_start3A_629 = tpu.memref_slice %arg5[%dma_start3A_627, %dma_start3A_628] : memref<200x128xf32, #tpu.memory_space<vmem>> -> memref<40x128xf32, #tpu.memory_space<vmem>>
      %dma_start3A_630 = arith.constant 0 : i32
      %dma_start3A_631 = tpu.memref_slice %arg6[%dma_start3A_625, %dma_start3A_626, %dma_start3A_630] : memref<5x2x40xi32, #tpu.memory_space<vmem>> -> memref<1x1x40xi32, #tpu.memory_space<vmem>>
      %dma_start3A_632 = tpu.memref_squeeze %dma_start3A_631 : memref<1x1x40xi32, #tpu.memory_space<vmem>> -> memref<40xi32, #tpu.memory_space<vmem>>
      %dma_start3A_633 = arith.constant 0 : i32
      %dma_start3A_634 = arith.constant 0 : i32
      %dma_start3A_635 = tpu.memref_slice %arg2[%dma_start3A_633, %dma_start3A_634] : memref<10000x128xf32, #tpu.memory_space<hbm>> -> memref<10000x128xf32, #tpu.memory_space<hbm>>
      tpu.enqueue_indirect_dma source(%dma_start3A_635 : memref<10000x128xf32, #tpu.memory_space<hbm>>) target(%dma_start3A_629 : memref<40x128xf32, #tpu.memory_space<vmem>>) offsets(%dma_start3A_632 : memref<40xi32, #tpu.memory_space<vmem>>) semaphore(%arg9 : memref<!tpu.dma_semaphore, #tpu.memory_space<semaphore_mem>>)
      %dma_start3A_636 = arith.constant 3 : i32
      %dma_start3A_637 = arith.constant 0 : i32
      %dma_start3A_638 = arith.constant 120 : i32
      %dma_start3A_639 = arith.constant 0 : i32
      %dma_start3A_640 = tpu.memref_slice %arg5[%dma_start3A_638, %dma_start3A_639] : memref<200x128xf32, #tpu.memory_space<vmem>> -> memref<40x128xf32, #tpu.memory_space<vmem>>
      %dma_start3A_641 = arith.constant 0 : i32
      %dma_start3A_642 = tpu.memref_slice %arg6[%dma_start3A_636, %dma_start3A_637, %dma_start3A_641] : memref<5x2x40xi32, #tpu.memory_space<vmem>> -> memref<1x1x40xi32, #tpu.memory_space<vmem>>
      %dma_start3A_643 = tpu.memref_squeeze %dma_start3A_642 : memref<1x1x40xi32, #tpu.memory_space<vmem>> -> memref<40xi32, #tpu.memory_space<vmem>>
      %dma_start3A_644 = arith.constant 0 : i32
      %dma_start3A_645 = arith.constant 0 : i32
      %dma_start3A_646 = tpu.memref_slice %arg2[%dma_start3A_644, %dma_start3A_645] : memref<10000x128xf32, #tpu.memory_space<hbm>> -> memref<10000x128xf32, #tpu.memory_space<hbm>>
      tpu.enqueue_indirect_dma source(%dma_start3A_646 : memref<10000x128xf32, #tpu.memory_space<hbm>>) target(%dma_start3A_640 : memref<40x128xf32, #tpu.memory_space<vmem>>) offsets(%dma_start3A_643 : memref<40xi32, #tpu.memory_space<vmem>>) semaphore(%arg9 : memref<!tpu.dma_semaphore, #tpu.memory_space<semaphore_mem>>)
      %dma_start3A_647 = arith.constant 4 : i32
      %dma_start3A_648 = arith.constant 0 : i32
      %dma_start3A_649 = arith.constant 160 : i32
      %dma_start3A_650 = arith.constant 0 : i32
      %dma_start3A_651 = tpu.memref_slice %arg5[%dma_start3A_649, %dma_start3A_650] : memref<200x128xf32, #tpu.memory_space<vmem>> -> memref<40x128xf32, #tpu.memory_space<vmem>>
      %dma_start3A_652 = arith.constant 0 : i32
      %dma_start3A_653 = tpu.memref_slice %arg6[%dma_start3A_647, %dma_start3A_648, %dma_start3A_652] : memref<5x2x40xi32, #tpu.memory_space<vmem>> -> memref<1x1x40xi32, #tpu.memory_space<vmem>>
      %dma_start3A_654 = tpu.memref_squeeze %dma_start3A_653 : memref<1x1x40xi32, #tpu.memory_space<vmem>> -> memref<40xi32, #tpu.memory_space<vmem>>
      %dma_start3A_655 = arith.constant 0 : i32
      %dma_start3A_656 = arith.constant 0 : i32
      %dma_start3A_657 = tpu.memref_slice %arg2[%dma_start3A_655, %dma_start3A_656] : memref<10000x128xf32, #tpu.memory_space<hbm>> -> memref<10000x128xf32, #tpu.memory_space<hbm>>
      tpu.enqueue_indirect_dma source(%dma_start3A_657 : memref<10000x128xf32, #tpu.memory_space<hbm>>) target(%dma_start3A_651 : memref<40x128xf32, #tpu.memory_space<vmem>>) offsets(%dma_start3A_654 : memref<40xi32, #tpu.memory_space<vmem>>) semaphore(%arg9 : memref<!tpu.dma_semaphore, #tpu.memory_space<semaphore_mem>>)
    }
    %scan3A_99 = arith.constant 24 : i32
    %dma_wait3A_100 = arith.constant 0 : i32
    %dma_wait3A_101 = arith.constant 0 : i32
    %dma_wait3A_102 = tpu.memref_slice %arg5[%dma_wait3A_100, %dma_wait3A_101] : memref<200x128xf32, #tpu.memory_space<vmem>> -> memref<200x128xf32, #tpu.memory_space<vmem>>
    %dma_wait3A_103 = arith.constant 0 : i32
    %dma_wait3A_104 = arith.constant 0 : i32
    %dma_wait3A_105 = tpu.memref_slice %arg2[%dma_wait3A_103, %dma_wait3A_104] : memref<10000x128xf32, #tpu.memory_space<hbm>> -> memref<200x128xf32, #tpu.memory_space<hbm>>
    %dma_wait3A_106 = arith.constant 0 : i32
    %dma_wait3A_107 = arith.constant 0 : i32
    %dma_wait3A_108 = tpu.memref_slice %arg5[%dma_wait3A_106, %dma_wait3A_107] : memref<200x128xf32, #tpu.memory_space<vmem>> -> memref<200x128xf32, #tpu.memory_space<vmem>>
    %dma_wait3A_109 = arith.constant 0 : i32
    %dma_wait3A_110 = arith.constant 0 : i32
    %dma_wait3A_111 = tpu.memref_slice %arg2[%dma_wait3A_109, %dma_wait3A_110] : memref<10000x128xf32, #tpu.memory_space<hbm>> -> memref<200x128xf32, #tpu.memory_space<hbm>>
    tpu.wait_dma2 semaphore(%arg9 : memref<!tpu.dma_semaphore, #tpu.memory_space<semaphore_mem>>) src(%dma_wait3A_111 : memref<200x128xf32, #tpu.memory_space<hbm>>) dst(%dma_wait3A_108 : memref<200x128xf32, #tpu.memory_space<vmem>>)
    %dma_start3A_112 = arith.constant 0 : i32
    %dma_start3A_113 = arith.constant 1 : i32
    %dma_start3A_114 = arith.constant 0 : i32
    %dma_start3A_115 = arith.constant 0 : i32
    %dma_start3A_116 = tpu.memref_slice %arg5[%dma_start3A_114, %dma_start3A_115] : memref<200x128xf32, #tpu.memory_space<vmem>> -> memref<40x128xf32, #tpu.memory_space<vmem>>
    %dma_start3A_117 = arith.constant 0 : i32
    %dma_start3A_118 = tpu.memref_slice %arg6[%dma_start3A_112, %dma_start3A_113, %dma_start3A_117] : memref<5x2x40xi32, #tpu.memory_space<vmem>> -> memref<1x1x40xi32, #tpu.memory_space<vmem>>
    %dma_start3A_119 = tpu.memref_squeeze %dma_start3A_118 : memref<1x1x40xi32, #tpu.memory_space<vmem>> -> memref<40xi32, #tpu.memory_space<vmem>>
    %dma_start3A_120 = arith.constant 0 : i32
    %dma_start3A_121 = arith.constant 0 : i32
    %dma_start3A_122 = tpu.memref_slice %arg8[%dma_start3A_120, %dma_start3A_121] : memref<10000x128xf32, #tpu.memory_space<vmem_shared>> -> memref<10000x128xf32, #tpu.memory_space<vmem_shared>>
    tpu.enqueue_indirect_dma source(%dma_start3A_116 : memref<40x128xf32, #tpu.memory_space<vmem>>) target(%dma_start3A_122 : memref<10000x128xf32, #tpu.memory_space<vmem_shared>>) offsets(%dma_start3A_119 : memref<40xi32, #tpu.memory_space<vmem>>) semaphore(%arg10 : memref<!tpu.dma_semaphore, #tpu.memory_space<semaphore_mem>>) {add = true}
    %dma_start3A_123 = arith.constant 1 : i32
    %dma_start3A_124 = arith.constant 1 : i32
    %dma_start3A_125 = arith.constant 40 : i32
    %dma_start3A_126 = arith.constant 0 : i32
    %dma_start3A_127 = tpu.memref_slice %arg5[%dma_start3A_125, %dma_start3A_126] : memref<200x128xf32, #tpu.memory_space<vmem>> -> memref<40x128xf32, #tpu.memory_space<vmem>>
    %dma_start3A_128 = arith.constant 0 : i32
    %dma_start3A_129 = tpu.memref_slice %arg6[%dma_start3A_123, %dma_start3A_124, %dma_start3A_128] : memref<5x2x40xi32, #tpu.memory_space<vmem>> -> memref<1x1x40xi32, #tpu.memory_space<vmem>>
    %dma_start3A_130 = tpu.memref_squeeze %dma_start3A_129 : memref<1x1x40xi32, #tpu.memory_space<vmem>> -> memref<40xi32, #tpu.memory_space<vmem>>
    %dma_start3A_131 = arith.constant 0 : i32
    %dma_start3A_132 = arith.constant 0 : i32
    %dma_start3A_133 = tpu.memref_slice %arg8[%dma_start3A_131, %dma_start3A_132] : memref<10000x128xf32, #tpu.memory_space<vmem_shared>> -> memref<10000x128xf32, #tpu.memory_space<vmem_shared>>
    tpu.enqueue_indirect_dma source(%dma_start3A_127 : memref<40x128xf32, #tpu.memory_space<vmem>>) target(%dma_start3A_133 : memref<10000x128xf32, #tpu.memory_space<vmem_shared>>) offsets(%dma_start3A_130 : memref<40xi32, #tpu.memory_space<vmem>>) semaphore(%arg10 : memref<!tpu.dma_semaphore, #tpu.memory_space<semaphore_mem>>) {add = true}
    %dma_start3A_134 = arith.constant 2 : i32
    %dma_start3A_135 = arith.constant 1 : i32
    %dma_start3A_136 = arith.constant 80 : i32
    %dma_start3A_137 = arith.constant 0 : i32
    %dma_start3A_138 = tpu.memref_slice %arg5[%dma_start3A_136, %dma_start3A_137] : memref<200x128xf32, #tpu.memory_space<vmem>> -> memref<40x128xf32, #tpu.memory_space<vmem>>
    %dma_start3A_139 = arith.constant 0 : i32
    %dma_start3A_140 = tpu.memref_slice %arg6[%dma_start3A_134, %dma_start3A_135, %dma_start3A_139] : memref<5x2x40xi32, #tpu.memory_space<vmem>> -> memref<1x1x40xi32, #tpu.memory_space<vmem>>
    %dma_start3A_141 = tpu.memref_squeeze %dma_start3A_140 : memref<1x1x40xi32, #tpu.memory_space<vmem>> -> memref<40xi32, #tpu.memory_space<vmem>>
    %dma_start3A_142 = arith.constant 0 : i32
    %dma_start3A_143 = arith.constant 0 : i32
    %dma_start3A_144 = tpu.memref_slice %arg8[%dma_start3A_142, %dma_start3A_143] : memref<10000x128xf32, #tpu.memory_space<vmem_shared>> -> memref<10000x128xf32, #tpu.memory_space<vmem_shared>>
    tpu.enqueue_indirect_dma source(%dma_start3A_138 : memref<40x128xf32, #tpu.memory_space<vmem>>) target(%dma_start3A_144 : memref<10000x128xf32, #tpu.memory_space<vmem_shared>>) offsets(%dma_start3A_141 : memref<40xi32, #tpu.memory_space<vmem>>) semaphore(%arg10 : memref<!tpu.dma_semaphore, #tpu.memory_space<semaphore_mem>>) {add = true}
    %dma_start3A_145 = arith.constant 3 : i32
    %dma_start3A_146 = arith.constant 1 : i32
    %dma_start3A_147 = arith.constant 120 : i32
    %dma_start3A_148 = arith.constant 0 : i32
    %dma_start3A_149 = tpu.memref_slice %arg5[%dma_start3A_147, %dma_start3A_148] : memref<200x128xf32, #tpu.memory_space<vmem>> -> memref<40x128xf32, #tpu.memory_space<vmem>>
    %dma_start3A_150 = arith.constant 0 : i32
    %dma_start3A_151 = tpu.memref_slice %arg6[%dma_start3A_145, %dma_start3A_146, %dma_start3A_150] : memref<5x2x40xi32, #tpu.memory_space<vmem>> -> memref<1x1x40xi32, #tpu.memory_space<vmem>>
    %dma_start3A_152 = tpu.memref_squeeze %dma_start3A_151 : memref<1x1x40xi32, #tpu.memory_space<vmem>> -> memref<40xi32, #tpu.memory_space<vmem>>
    %dma_start3A_153 = arith.constant 0 : i32
    %dma_start3A_154 = arith.constant 0 : i32
    %dma_start3A_155 = tpu.memref_slice %arg8[%dma_start3A_153, %dma_start3A_154] : memref<10000x128xf32, #tpu.memory_space<vmem_shared>> -> memref<10000x128xf32, #tpu.memory_space<vmem_shared>>
    tpu.enqueue_indirect_dma source(%dma_start3A_149 : memref<40x128xf32, #tpu.memory_space<vmem>>) target(%dma_start3A_155 : memref<10000x128xf32, #tpu.memory_space<vmem_shared>>) offsets(%dma_start3A_152 : memref<40xi32, #tpu.memory_space<vmem>>) semaphore(%arg10 : memref<!tpu.dma_semaphore, #tpu.memory_space<semaphore_mem>>) {add = true}
    %dma_start3A_156 = arith.constant 4 : i32
    %dma_start3A_157 = arith.constant 1 : i32
    %dma_start3A_158 = arith.constant 160 : i32
    %dma_start3A_159 = arith.constant 0 : i32
    %dma_start3A_160 = tpu.memref_slice %arg5[%dma_start3A_158, %dma_start3A_159] : memref<200x128xf32, #tpu.memory_space<vmem>> -> memref<40x128xf32, #tpu.memory_space<vmem>>
    %dma_start3A_161 = arith.constant 0 : i32
    %dma_start3A_162 = tpu.memref_slice %arg6[%dma_start3A_156, %dma_start3A_157, %dma_start3A_161] : memref<5x2x40xi32, #tpu.memory_space<vmem>> -> memref<1x1x40xi32, #tpu.memory_space<vmem>>
    %dma_start3A_163 = tpu.memref_squeeze %dma_start3A_162 : memref<1x1x40xi32, #tpu.memory_space<vmem>> -> memref<40xi32, #tpu.memory_space<vmem>>
    %dma_start3A_164 = arith.constant 0 : i32
    %dma_start3A_165 = arith.constant 0 : i32
    %dma_start3A_166 = tpu.memref_slice %arg8[%dma_start3A_164, %dma_start3A_165] : memref<10000x128xf32, #tpu.memory_space<vmem_shared>> -> memref<10000x128xf32, #tpu.memory_space<vmem_shared>>
    tpu.enqueue_indirect_dma source(%dma_start3A_160 : memref<40x128xf32, #tpu.memory_space<vmem>>) target(%dma_start3A_166 : memref<10000x128xf32, #tpu.memory_space<vmem_shared>>) offsets(%dma_start3A_163 : memref<40xi32, #tpu.memory_space<vmem>>) semaphore(%arg10 : memref<!tpu.dma_semaphore, #tpu.memory_space<semaphore_mem>>) {add = true}
    %dma_wait3A_167 = arith.constant 0 : i32
    %dma_wait3A_168 = arith.constant 0 : i32
    %dma_wait3A_169 = tpu.memref_slice %arg5[%dma_wait3A_167, %dma_wait3A_168] : memref<200x128xf32, #tpu.memory_space<vmem>> -> memref<200x128xf32, #tpu.memory_space<vmem>>
    %dma_wait3A_170 = arith.constant 0 : i32
    %dma_wait3A_171 = arith.constant 0 : i32
    %dma_wait3A_172 = tpu.memref_slice %arg2[%dma_wait3A_170, %dma_wait3A_171] : memref<10000x128xf32, #tpu.memory_space<hbm>> -> memref<200x128xf32, #tpu.memory_space<hbm>>
    %dma_wait3A_173 = arith.constant 0 : i32
    %dma_wait3A_174 = arith.constant 0 : i32
    %dma_wait3A_175 = tpu.memref_slice %arg5[%dma_wait3A_173, %dma_wait3A_174] : memref<200x128xf32, #tpu.memory_space<vmem>> -> memref<200x128xf32, #tpu.memory_space<vmem>>
    %dma_wait3A_176 = arith.constant 0 : i32
    %dma_wait3A_177 = arith.constant 0 : i32
    %dma_wait3A_178 = tpu.memref_slice %arg2[%dma_wait3A_176, %dma_wait3A_177] : memref<10000x128xf32, #tpu.memory_space<hbm>> -> memref<200x128xf32, #tpu.memory_space<hbm>>
    tpu.wait_dma2 semaphore(%arg10 : memref<!tpu.dma_semaphore, #tpu.memory_space<semaphore_mem>>) src(%dma_wait3A_178 : memref<200x128xf32, #tpu.memory_space<hbm>>) dst(%dma_wait3A_175 : memref<200x128xf32, #tpu.memory_space<vmem>>)
    %dma_wait3A_179 = arith.constant 0 : i32
    %dma_wait3A_180 = arith.constant 0 : i32
    %dma_wait3A_181 = arith.constant 0 : i32
    %dma_wait3A_182 = arith.constant 0 : i32
    %dma_wait3A_183 = tpu.memref_slice %arg3[%add3A, %dma_wait3A_179, %dma_wait3A_180, %dma_wait3A_181, %dma_wait3A_182] : memref<32x50x5x2x40xi32, #tpu.memory_space<hbm>> -> memref<1x1x5x2x40xi32, #tpu.memory_space<hbm>>
    %dma_wait3A_184 = tpu.memref_squeeze %dma_wait3A_183 : memref<1x1x5x2x40xi32, #tpu.memory_space<hbm>> -> memref<5x2x40xi32, #tpu.memory_space<hbm>>
    %dma_wait3A_185 = arith.constant 0 : i32
    %dma_wait3A_186 = arith.constant 0 : i32
    %dma_wait3A_187 = arith.constant 0 : i32
    %dma_wait3A_188 = tpu.memref_slice %arg3[%add3A, %dma_wait3A_179, %dma_wait3A_185, %dma_wait3A_186, %dma_wait3A_187] : memref<32x50x5x2x40xi32, #tpu.memory_space<hbm>> -> memref<1x1x5x2x40xi32, #tpu.memory_space<hbm>>
    %dma_wait3A_189 = tpu.memref_squeeze %dma_wait3A_188 : memref<1x1x5x2x40xi32, #tpu.memory_space<hbm>> -> memref<5x2x40xi32, #tpu.memory_space<hbm>>
    tpu.wait_dma2 semaphore(%arg12 : memref<!tpu.dma_semaphore, #tpu.memory_space<semaphore_mem>>) src(%dma_wait3A_189 : memref<5x2x40xi32, #tpu.memory_space<hbm>>) dst(%arg7 : memref<5x2x40xi32, #tpu.memory_space<vmem>>)
    %dma_start3A_190 = arith.constant 0 : i32
    %dma_start3A_191 = arith.constant 0 : i32
    %dma_start3A_192 = arith.constant 0 : i32
    %dma_start3A_193 = arith.constant 0 : i32
    %dma_start3A_194 = tpu.memref_slice %arg5[%dma_start3A_192, %dma_start3A_193] : memref<200x128xf32, #tpu.memory_space<vmem>> -> memref<40x128xf32, #tpu.memory_space<vmem>>
    %dma_start3A_195 = arith.constant 0 : i32
    %dma_start3A_196 = tpu.memref_slice %arg7[%dma_start3A_190, %dma_start3A_191, %dma_start3A_195] : memref<5x2x40xi32, #tpu.memory_space<vmem>> -> memref<1x1x40xi32, #tpu.memory_space<vmem>>
    %dma_start3A_197 = tpu.memref_squeeze %dma_start3A_196 : memref<1x1x40xi32, #tpu.memory_space<vmem>> -> memref<40xi32, #tpu.memory_space<vmem>>
    %dma_start3A_198 = arith.constant 0 : i32
    %dma_start3A_199 = arith.constant 0 : i32
    %dma_start3A_200 = tpu.memref_slice %arg2[%dma_start3A_198, %dma_start3A_199] : memref<10000x128xf32, #tpu.memory_space<hbm>> -> memref<10000x128xf32, #tpu.memory_space<hbm>>
    tpu.enqueue_indirect_dma source(%dma_start3A_200 : memref<10000x128xf32, #tpu.memory_space<hbm>>) target(%dma_start3A_194 : memref<40x128xf32, #tpu.memory_space<vmem>>) offsets(%dma_start3A_197 : memref<40xi32, #tpu.memory_space<vmem>>) semaphore(%arg9 : memref<!tpu.dma_semaphore, #tpu.memory_space<semaphore_mem>>)
    %dma_start3A_201 = arith.constant 1 : i32
    %dma_start3A_202 = arith.constant 0 : i32
    %dma_start3A_203 = arith.constant 40 : i32
    %dma_start3A_204 = arith.constant 0 : i32
    %dma_start3A_205 = tpu.memref_slice %arg5[%dma_start3A_203, %dma_start3A_204] : memref<200x128xf32, #tpu.memory_space<vmem>> -> memref<40x128xf32, #tpu.memory_space<vmem>>
    %dma_start3A_206 = arith.constant 0 : i32
    %dma_start3A_207 = tpu.memref_slice %arg7[%dma_start3A_201, %dma_start3A_202, %dma_start3A_206] : memref<5x2x40xi32, #tpu.memory_space<vmem>> -> memref<1x1x40xi32, #tpu.memory_space<vmem>>
    %dma_start3A_208 = tpu.memref_squeeze %dma_start3A_207 : memref<1x1x40xi32, #tpu.memory_space<vmem>> -> memref<40xi32, #tpu.memory_space<vmem>>
    %dma_start3A_209 = arith.constant 0 : i32
    %dma_start3A_210 = arith.constant 0 : i32
    %dma_start3A_211 = tpu.memref_slice %arg2[%dma_start3A_209, %dma_start3A_210] : memref<10000x128xf32, #tpu.memory_space<hbm>> -> memref<10000x128xf32, #tpu.memory_space<hbm>>
    tpu.enqueue_indirect_dma source(%dma_start3A_211 : memref<10000x128xf32, #tpu.memory_space<hbm>>) target(%dma_start3A_205 : memref<40x128xf32, #tpu.memory_space<vmem>>) offsets(%dma_start3A_208 : memref<40xi32, #tpu.memory_space<vmem>>) semaphore(%arg9 : memref<!tpu.dma_semaphore, #tpu.memory_space<semaphore_mem>>)
    %dma_start3A_212 = arith.constant 2 : i32
    %dma_start3A_213 = arith.constant 0 : i32
    %dma_start3A_214 = arith.constant 80 : i32
    %dma_start3A_215 = arith.constant 0 : i32
    %dma_start3A_216 = tpu.memref_slice %arg5[%dma_start3A_214, %dma_start3A_215] : memref<200x128xf32, #tpu.memory_space<vmem>> -> memref<40x128xf32, #tpu.memory_space<vmem>>
    %dma_start3A_217 = arith.constant 0 : i32
    %dma_start3A_218 = tpu.memref_slice %arg7[%dma_start3A_212, %dma_start3A_213, %dma_start3A_217] : memref<5x2x40xi32, #tpu.memory_space<vmem>> -> memref<1x1x40xi32, #tpu.memory_space<vmem>>
    %dma_start3A_219 = tpu.memref_squeeze %dma_start3A_218 : memref<1x1x40xi32, #tpu.memory_space<vmem>> -> memref<40xi32, #tpu.memory_space<vmem>>
    %dma_start3A_220 = arith.constant 0 : i32
    %dma_start3A_221 = arith.constant 0 : i32
    %dma_start3A_222 = tpu.memref_slice %arg2[%dma_start3A_220, %dma_start3A_221] : memref<10000x128xf32, #tpu.memory_space<hbm>> -> memref<10000x128xf32, #tpu.memory_space<hbm>>
    tpu.enqueue_indirect_dma source(%dma_start3A_222 : memref<10000x128xf32, #tpu.memory_space<hbm>>) target(%dma_start3A_216 : memref<40x128xf32, #tpu.memory_space<vmem>>) offsets(%dma_start3A_219 : memref<40xi32, #tpu.memory_space<vmem>>) semaphore(%arg9 : memref<!tpu.dma_semaphore, #tpu.memory_space<semaphore_mem>>)
    %dma_start3A_223 = arith.constant 3 : i32
    %dma_start3A_224 = arith.constant 0 : i32
    %dma_start3A_225 = arith.constant 120 : i32
    %dma_start3A_226 = arith.constant 0 : i32
    %dma_start3A_227 = tpu.memref_slice %arg5[%dma_start3A_225, %dma_start3A_226] : memref<200x128xf32, #tpu.memory_space<vmem>> -> memref<40x128xf32, #tpu.memory_space<vmem>>
    %dma_start3A_228 = arith.constant 0 : i32
    %dma_start3A_229 = tpu.memref_slice %arg7[%dma_start3A_223, %dma_start3A_224, %dma_start3A_228] : memref<5x2x40xi32, #tpu.memory_space<vmem>> -> memref<1x1x40xi32, #tpu.memory_space<vmem>>
    %dma_start3A_230 = tpu.memref_squeeze %dma_start3A_229 : memref<1x1x40xi32, #tpu.memory_space<vmem>> -> memref<40xi32, #tpu.memory_space<vmem>>
    %dma_start3A_231 = arith.constant 0 : i32
    %dma_start3A_232 = arith.constant 0 : i32
    %dma_start3A_233 = tpu.memref_slice %arg2[%dma_start3A_231, %dma_start3A_232] : memref<10000x128xf32, #tpu.memory_space<hbm>> -> memref<10000x128xf32, #tpu.memory_space<hbm>>
    tpu.enqueue_indirect_dma source(%dma_start3A_233 : memref<10000x128xf32, #tpu.memory_space<hbm>>) target(%dma_start3A_227 : memref<40x128xf32, #tpu.memory_space<vmem>>) offsets(%dma_start3A_230 : memref<40xi32, #tpu.memory_space<vmem>>) semaphore(%arg9 : memref<!tpu.dma_semaphore, #tpu.memory_space<semaphore_mem>>)
    %dma_start3A_234 = arith.constant 4 : i32
    %dma_start3A_235 = arith.constant 0 : i32
    %dma_start3A_236 = arith.constant 160 : i32
    %dma_start3A_237 = arith.constant 0 : i32
    %dma_start3A_238 = tpu.memref_slice %arg5[%dma_start3A_236, %dma_start3A_237] : memref<200x128xf32, #tpu.memory_space<vmem>> -> memref<40x128xf32, #tpu.memory_space<vmem>>
    %dma_start3A_239 = arith.constant 0 : i32
    %dma_start3A_240 = tpu.memref_slice %arg7[%dma_start3A_234, %dma_start3A_235, %dma_start3A_239] : memref<5x2x40xi32, #tpu.memory_space<vmem>> -> memref<1x1x40xi32, #tpu.memory_space<vmem>>
    %dma_start3A_241 = tpu.memref_squeeze %dma_start3A_240 : memref<1x1x40xi32, #tpu.memory_space<vmem>> -> memref<40xi32, #tpu.memory_space<vmem>>
    %dma_start3A_242 = arith.constant 0 : i32
    %dma_start3A_243 = arith.constant 0 : i32
    %dma_start3A_244 = tpu.memref_slice %arg2[%dma_start3A_242, %dma_start3A_243] : memref<10000x128xf32, #tpu.memory_space<hbm>> -> memref<10000x128xf32, #tpu.memory_space<hbm>>
    tpu.enqueue_indirect_dma source(%dma_start3A_244 : memref<10000x128xf32, #tpu.memory_space<hbm>>) target(%dma_start3A_238 : memref<40x128xf32, #tpu.memory_space<vmem>>) offsets(%dma_start3A_241 : memref<40xi32, #tpu.memory_space<vmem>>) semaphore(%arg9 : memref<!tpu.dma_semaphore, #tpu.memory_space<semaphore_mem>>)
    %dma_wait3A_245 = arith.constant 0 : i32
    %dma_wait3A_246 = arith.constant 0 : i32
    %dma_wait3A_247 = tpu.memref_slice %arg5[%dma_wait3A_245, %dma_wait3A_246] : memref<200x128xf32, #tpu.memory_space<vmem>> -> memref<200x128xf32, #tpu.memory_space<vmem>>
    %dma_wait3A_248 = arith.constant 0 : i32
    %dma_wait3A_249 = arith.constant 0 : i32
    %dma_wait3A_250 = tpu.memref_slice %arg2[%dma_wait3A_248, %dma_wait3A_249] : memref<10000x128xf32, #tpu.memory_space<hbm>> -> memref<200x128xf32, #tpu.memory_space<hbm>>
    %dma_wait3A_251 = arith.constant 0 : i32
    %dma_wait3A_252 = arith.constant 0 : i32
    %dma_wait3A_253 = tpu.memref_slice %arg5[%dma_wait3A_251, %dma_wait3A_252] : memref<200x128xf32, #tpu.memory_space<vmem>> -> memref<200x128xf32, #tpu.memory_space<vmem>>
    %dma_wait3A_254 = arith.constant 0 : i32
    %dma_wait3A_255 = arith.constant 0 : i32
    %dma_wait3A_256 = tpu.memref_slice %arg2[%dma_wait3A_254, %dma_wait3A_255] : memref<10000x128xf32, #tpu.memory_space<hbm>> -> memref<200x128xf32, #tpu.memory_space<hbm>>
    tpu.wait_dma2 semaphore(%arg9 : memref<!tpu.dma_semaphore, #tpu.memory_space<semaphore_mem>>) src(%dma_wait3A_256 : memref<200x128xf32, #tpu.memory_space<hbm>>) dst(%dma_wait3A_253 : memref<200x128xf32, #tpu.memory_space<vmem>>)
    %dma_start3A_257 = arith.constant 0 : i32
    %dma_start3A_258 = arith.constant 1 : i32
    %dma_start3A_259 = arith.constant 0 : i32
    %dma_start3A_260 = arith.constant 0 : i32
    %dma_start3A_261 = tpu.memref_slice %arg5[%dma_start3A_259, %dma_start3A_260] : memref<200x128xf32, #tpu.memory_space<vmem>> -> memref<40x128xf32, #tpu.memory_space<vmem>>
    %dma_start3A_262 = arith.constant 0 : i32
    %dma_start3A_263 = tpu.memref_slice %arg7[%dma_start3A_257, %dma_start3A_258, %dma_start3A_262] : memref<5x2x40xi32, #tpu.memory_space<vmem>> -> memref<1x1x40xi32, #tpu.memory_space<vmem>>
    %dma_start3A_264 = tpu.memref_squeeze %dma_start3A_263 : memref<1x1x40xi32, #tpu.memory_space<vmem>> -> memref<40xi32, #tpu.memory_space<vmem>>
    %dma_start3A_265 = arith.constant 0 : i32
    %dma_start3A_266 = arith.constant 0 : i32
    %dma_start3A_267 = tpu.memref_slice %arg8[%dma_start3A_265, %dma_start3A_266] : memref<10000x128xf32, #tpu.memory_space<vmem_shared>> -> memref<10000x128xf32, #tpu.memory_space<vmem_shared>>
    tpu.enqueue_indirect_dma source(%dma_start3A_261 : memref<40x128xf32, #tpu.memory_space<vmem>>) target(%dma_start3A_267 : memref<10000x128xf32, #tpu.memory_space<vmem_shared>>) offsets(%dma_start3A_264 : memref<40xi32, #tpu.memory_space<vmem>>) semaphore(%arg10 : memref<!tpu.dma_semaphore, #tpu.memory_space<semaphore_mem>>) {add = true}
    %dma_start3A_268 = arith.constant 1 : i32
    %dma_start3A_269 = arith.constant 1 : i32
    %dma_start3A_270 = arith.constant 40 : i32
    %dma_start3A_271 = arith.constant 0 : i32
    %dma_start3A_272 = tpu.memref_slice %arg5[%dma_start3A_270, %dma_start3A_271] : memref<200x128xf32, #tpu.memory_space<vmem>> -> memref<40x128xf32, #tpu.memory_space<vmem>>
    %dma_start3A_273 = arith.constant 0 : i32
    %dma_start3A_274 = tpu.memref_slice %arg7[%dma_start3A_268, %dma_start3A_269, %dma_start3A_273] : memref<5x2x40xi32, #tpu.memory_space<vmem>> -> memref<1x1x40xi32, #tpu.memory_space<vmem>>
    %dma_start3A_275 = tpu.memref_squeeze %dma_start3A_274 : memref<1x1x40xi32, #tpu.memory_space<vmem>> -> memref<40xi32, #tpu.memory_space<vmem>>
    %dma_start3A_276 = arith.constant 0 : i32
    %dma_start3A_277 = arith.constant 0 : i32
    %dma_start3A_278 = tpu.memref_slice %arg8[%dma_start3A_276, %dma_start3A_277] : memref<10000x128xf32, #tpu.memory_space<vmem_shared>> -> memref<10000x128xf32, #tpu.memory_space<vmem_shared>>
    tpu.enqueue_indirect_dma source(%dma_start3A_272 : memref<40x128xf32, #tpu.memory_space<vmem>>) target(%dma_start3A_278 : memref<10000x128xf32, #tpu.memory_space<vmem_shared>>) offsets(%dma_start3A_275 : memref<40xi32, #tpu.memory_space<vmem>>) semaphore(%arg10 : memref<!tpu.dma_semaphore, #tpu.memory_space<semaphore_mem>>) {add = true}
    %dma_start3A_279 = arith.constant 2 : i32
    %dma_start3A_280 = arith.constant 1 : i32
    %dma_start3A_281 = arith.constant 80 : i32
    %dma_start3A_282 = arith.constant 0 : i32
    %dma_start3A_283 = tpu.memref_slice %arg5[%dma_start3A_281, %dma_start3A_282] : memref<200x128xf32, #tpu.memory_space<vmem>> -> memref<40x128xf32, #tpu.memory_space<vmem>>
    %dma_start3A_284 = arith.constant 0 : i32
    %dma_start3A_285 = tpu.memref_slice %arg7[%dma_start3A_279, %dma_start3A_280, %dma_start3A_284] : memref<5x2x40xi32, #tpu.memory_space<vmem>> -> memref<1x1x40xi32, #tpu.memory_space<vmem>>
    %dma_start3A_286 = tpu.memref_squeeze %dma_start3A_285 : memref<1x1x40xi32, #tpu.memory_space<vmem>> -> memref<40xi32, #tpu.memory_space<vmem>>
    %dma_start3A_287 = arith.constant 0 : i32
    %dma_start3A_288 = arith.constant 0 : i32
    %dma_start3A_289 = tpu.memref_slice %arg8[%dma_start3A_287, %dma_start3A_288] : memref<10000x128xf32, #tpu.memory_space<vmem_shared>> -> memref<10000x128xf32, #tpu.memory_space<vmem_shared>>
    tpu.enqueue_indirect_dma source(%dma_start3A_283 : memref<40x128xf32, #tpu.memory_space<vmem>>) target(%dma_start3A_289 : memref<10000x128xf32, #tpu.memory_space<vmem_shared>>) offsets(%dma_start3A_286 : memref<40xi32, #tpu.memory_space<vmem>>) semaphore(%arg10 : memref<!tpu.dma_semaphore, #tpu.memory_space<semaphore_mem>>) {add = true}
    %dma_start3A_290 = arith.constant 3 : i32
    %dma_start3A_291 = arith.constant 1 : i32
    %dma_start3A_292 = arith.constant 120 : i32
    %dma_start3A_293 = arith.constant 0 : i32
    %dma_start3A_294 = tpu.memref_slice %arg5[%dma_start3A_292, %dma_start3A_293] : memref<200x128xf32, #tpu.memory_space<vmem>> -> memref<40x128xf32, #tpu.memory_space<vmem>>
    %dma_start3A_295 = arith.constant 0 : i32
    %dma_start3A_296 = tpu.memref_slice %arg7[%dma_start3A_290, %dma_start3A_291, %dma_start3A_295] : memref<5x2x40xi32, #tpu.memory_space<vmem>> -> memref<1x1x40xi32, #tpu.memory_space<vmem>>
    %dma_start3A_297 = tpu.memref_squeeze %dma_start3A_296 : memref<1x1x40xi32, #tpu.memory_space<vmem>> -> memref<40xi32, #tpu.memory_space<vmem>>
    %dma_start3A_298 = arith.constant 0 : i32
    %dma_start3A_299 = arith.constant 0 : i32
    %dma_start3A_300 = tpu.memref_slice %arg8[%dma_start3A_298, %dma_start3A_299] : memref<10000x128xf32, #tpu.memory_space<vmem_shared>> -> memref<10000x128xf32, #tpu.memory_space<vmem_shared>>
    tpu.enqueue_indirect_dma source(%dma_start3A_294 : memref<40x128xf32, #tpu.memory_space<vmem>>) target(%dma_start3A_300 : memref<10000x128xf32, #tpu.memory_space<vmem_shared>>) offsets(%dma_start3A_297 : memref<40xi32, #tpu.memory_space<vmem>>) semaphore(%arg10 : memref<!tpu.dma_semaphore, #tpu.memory_space<semaphore_mem>>) {add = true}
    %dma_start3A_301 = arith.constant 4 : i32
    %dma_start3A_302 = arith.constant 1 : i32
    %dma_start3A_303 = arith.constant 160 : i32
    %dma_start3A_304 = arith.constant 0 : i32
    %dma_start3A_305 = tpu.memref_slice %arg5[%dma_start3A_303, %dma_start3A_304] : memref<200x128xf32, #tpu.memory_space<vmem>> -> memref<40x128xf32, #tpu.memory_space<vmem>>
    %dma_start3A_306 = arith.constant 0 : i32
    %dma_start3A_307 = tpu.memref_slice %arg7[%dma_start3A_301, %dma_start3A_302, %dma_start3A_306] : memref<5x2x40xi32, #tpu.memory_space<vmem>> -> memref<1x1x40xi32, #tpu.memory_space<vmem>>
    %dma_start3A_308 = tpu.memref_squeeze %dma_start3A_307 : memref<1x1x40xi32, #tpu.memory_space<vmem>> -> memref<40xi32, #tpu.memory_space<vmem>>
    %dma_start3A_309 = arith.constant 0 : i32
    %dma_start3A_310 = arith.constant 0 : i32
    %dma_start3A_311 = tpu.memref_slice %arg8[%dma_start3A_309, %dma_start3A_310] : memref<10000x128xf32, #tpu.memory_space<vmem_shared>> -> memref<10000x128xf32, #tpu.memory_space<vmem_shared>>
    tpu.enqueue_indirect_dma source(%dma_start3A_305 : memref<40x128xf32, #tpu.memory_space<vmem>>) target(%dma_start3A_311 : memref<10000x128xf32, #tpu.memory_space<vmem_shared>>) offsets(%dma_start3A_308 : memref<40xi32, #tpu.memory_space<vmem>>) semaphore(%arg10 : memref<!tpu.dma_semaphore, #tpu.memory_space<semaphore_mem>>) {add = true}
    %dma_wait3A_312 = arith.constant 0 : i32
    %dma_wait3A_313 = arith.constant 0 : i32
    %dma_wait3A_314 = tpu.memref_slice %arg5[%dma_wait3A_312, %dma_wait3A_313] : memref<200x128xf32, #tpu.memory_space<vmem>> -> memref<200x128xf32, #tpu.memory_space<vmem>>
    %dma_wait3A_315 = arith.constant 0 : i32
    %dma_wait3A_316 = arith.constant 0 : i32
    %dma_wait3A_317 = tpu.memref_slice %arg2[%dma_wait3A_315, %dma_wait3A_316] : memref<10000x128xf32, #tpu.memory_space<hbm>> -> memref<200x128xf32, #tpu.memory_space<hbm>>
    %dma_wait3A_318 = arith.constant 0 : i32
    %dma_wait3A_319 = arith.constant 0 : i32
    %dma_wait3A_320 = tpu.memref_slice %arg5[%dma_wait3A_318, %dma_wait3A_319] : memref<200x128xf32, #tpu.memory_space<vmem>> -> memref<200x128xf32, #tpu.memory_space<vmem>>
    %dma_wait3A_321 = arith.constant 0 : i32
    %dma_wait3A_322 = arith.constant 0 : i32
    %dma_wait3A_323 = tpu.memref_slice %arg2[%dma_wait3A_321, %dma_wait3A_322] : memref<10000x128xf32, #tpu.memory_space<hbm>> -> memref<200x128xf32, #tpu.memory_space<hbm>>
    tpu.wait_dma2 semaphore(%arg10 : memref<!tpu.dma_semaphore, #tpu.memory_space<semaphore_mem>>) src(%dma_wait3A_323 : memref<200x128xf32, #tpu.memory_space<hbm>>) dst(%dma_wait3A_320 : memref<200x128xf32, #tpu.memory_space<vmem>>)
    %barrier3A_324 = arith.constant 0 : index
    tpu.barrier barrier_id(%barrier3A_324)
    %lt3A_325 = arith.constant 15 : i32
    %lt3A_326 = arith.cmpi slt, %arg1, %lt3A_325 : i32
    %convert_element_type3A_327 = arith.extui %lt3A_326 : i1 to i32
    %cond3A_328 = arith.constant 0 : i32
    %cond3A_329 = arith.cmpi ne, %convert_element_type3A_327, %cond3A_328 : i32
    scf.if %cond3A_329 {
      "tpu.region"() ({
        %run_scoped3A = tpu.sem_alloc : memref<!tpu.dma_semaphore, #tpu.memory_space<semaphore_mem>>
        %dma_start3A_335 = arith.constant 0 : i32
        %dma_start3A_336 = tpu.memref_slice %arg4[%arg0, %multiple_of3A, %dma_start3A_335] : memref<2x10000x128xf32, #tpu.memory_space<hbm>> -> memref<1x624x128xf32, #tpu.memory_space<hbm>>
        %dma_start3A_337 = tpu.memref_squeeze %dma_start3A_336 : memref<1x624x128xf32, #tpu.memory_space<hbm>> -> memref<624x128xf32, #tpu.memory_space<hbm>>
        %dma_start3A_338 = arith.constant 0 : i32
        %dma_start3A_339 = tpu.memref_slice %arg8[%multiple_of3A, %dma_start3A_338] : memref<10000x128xf32, #tpu.memory_space<vmem_shared>> -> memref<624x128xf32, #tpu.memory_space<vmem_shared>>
        tpu.enqueue_dma source(%dma_start3A_339 : memref<624x128xf32, #tpu.memory_space<vmem_shared>>) target(%dma_start3A_337 : memref<624x128xf32, #tpu.memory_space<hbm>>) target_semaphore(%run_scoped3A : memref<!tpu.dma_semaphore, #tpu.memory_space<semaphore_mem>>)
        %dma_wait3A_340 = arith.constant 0 : i32
        %dma_wait3A_341 = tpu.memref_slice %arg4[%arg0, %multiple_of3A, %dma_wait3A_340] : memref<2x10000x128xf32, #tpu.memory_space<hbm>> -> memref<1x624x128xf32, #tpu.memory_space<hbm>>
        %dma_wait3A_342 = tpu.memref_squeeze %dma_wait3A_341 : memref<1x624x128xf32, #tpu.memory_space<hbm>> -> memref<624x128xf32, #tpu.memory_space<hbm>>
        %dma_wait3A_343 = arith.constant 0 : i32
        %dma_wait3A_344 = tpu.memref_slice %arg8[%multiple_of3A, %dma_wait3A_343] : memref<10000x128xf32, #tpu.memory_space<vmem_shared>> -> memref<624x128xf32, #tpu.memory_space<vmem_shared>>
        tpu.wait_dma2 semaphore(%run_scoped3A : memref<!tpu.dma_semaphore, #tpu.memory_space<semaphore_mem>>) src(%dma_wait3A_344 : memref<624x128xf32, #tpu.memory_space<vmem_shared>>) dst(%dma_wait3A_342 : memref<624x128xf32, #tpu.memory_space<hbm>>)
        tpu.yield
      }) : () -> ()
    } else {
    }
    %eq3A_330 = arith.constant 15 : i32
    %eq3A_331 = arith.cmpi eq, %arg1, %eq3A_330 : i32
    %convert_element_type3A_332 = arith.extui %eq3A_331 : i1 to i32
    %cond3A_333 = arith.constant 0 : i32
    %cond3A_334 = arith.cmpi ne, %convert_element_type3A_332, %cond3A_333 : i32
    scf.if %cond3A_334 {
      "tpu.region"() ({
        %run_scoped3A = tpu.sem_alloc : memref<!tpu.dma_semaphore, #tpu.memory_space<semaphore_mem>>
        %dma_start3A_335 = arith.constant 0 : i32
        %dma_start3A_336 = tpu.memref_slice %arg4[%arg0, %multiple_of3A, %dma_start3A_335] : memref<2x10000x128xf32, #tpu.memory_space<hbm>> -> memref<1x640x128xf32, #tpu.memory_space<hbm>>
        %dma_start3A_337 = tpu.memref_squeeze %dma_start3A_336 : memref<1x640x128xf32, #tpu.memory_space<hbm>> -> memref<640x128xf32, #tpu.memory_space<hbm>>
        %dma_start3A_338 = arith.constant 0 : i32
        %dma_start3A_339 = tpu.memref_slice %arg8[%multiple_of3A, %dma_start3A_338] : memref<10000x128xf32, #tpu.memory_space<vmem_shared>> -> memref<640x128xf32, #tpu.memory_space<vmem_shared>>
        tpu.enqueue_dma source(%dma_start3A_339 : memref<640x128xf32, #tpu.memory_space<vmem_shared>>) target(%dma_start3A_337 : memref<640x128xf32, #tpu.memory_space<hbm>>) target_semaphore(%run_scoped3A : memref<!tpu.dma_semaphore, #tpu.memory_space<semaphore_mem>>)
        %dma_wait3A_340 = arith.constant 0 : i32
        %dma_wait3A_341 = tpu.memref_slice %arg4[%arg0, %multiple_of3A, %dma_wait3A_340] : memref<2x10000x128xf32, #tpu.memory_space<hbm>> -> memref<1x640x128xf32, #tpu.memory_space<hbm>>
        %dma_wait3A_342 = tpu.memref_squeeze %dma_wait3A_341 : memref<1x640x128xf32, #tpu.memory_space<hbm>> -> memref<640x128xf32, #tpu.memory_space<hbm>>
        %dma_wait3A_343 = arith.constant 0 : i32
        %dma_wait3A_344 = tpu.memref_slice %arg8[%multiple_of3A, %dma_wait3A_343] : memref<10000x128xf32, #tpu.memory_space<vmem_shared>> -> memref<640x128xf32, #tpu.memory_space<vmem_shared>>
        tpu.wait_dma2 semaphore(%run_scoped3A : memref<!tpu.dma_semaphore, #tpu.memory_space<semaphore_mem>>) src(%dma_wait3A_344 : memref<640x128xf32, #tpu.memory_space<vmem_shared>>) dst(%dma_wait3A_342 : memref<640x128xf32, #tpu.memory_space<hbm>>)
        tpu.yield
      }) : () -> ()
    } else {
    }
    return
  }
}

module attributes {stable_mosaic.version = 14 : i64} {
  func.func @_combine_body(%arg0: i32, %arg1: memref<400x128xf32, #tpu.memory_space<vmem>>, %arg2: memref<400x128xf32, #tpu.memory_space<vmem>>, %arg3: memref<400x128xf32, #tpu.memory_space<vmem>>, %arg4: memref<400x128xf32, #tpu.memory_space<vmem>>) attributes {dimension_semantics = [#tpu.dimension_semantics<arbitrary>], iteration_bounds = array<i64: 25>, scalar_prefetch = 0 : i64, scratch_operands = 0 : i64, tpu.core_type = #tpu.core_type<tc>, window_params = [{transform_indices = @transform_0, window_bounds = array<i64: 400, 128>}, {transform_indices = @transform_1, window_bounds = array<i64: 400, 128>}, {transform_indices = @transform_2, window_bounds = array<i64: 400, 128>}, {transform_indices = @transform_3, window_bounds = array<i64: 400, 128>}]} {
    %get3A = arith.constant 0 : index
    %get3A_0 = arith.constant 0 : index
    %get3A_1 = vector.load %arg2[%get3A, %get3A_0] : memref<400x128xf32, #tpu.memory_space<vmem>>, vector<400x128xf32>
    %get3A_2 = arith.constant 0 : index
    %get3A_3 = arith.constant 0 : index
    %get3A_4 = vector.load %arg3[%get3A_2, %get3A_3] : memref<400x128xf32, #tpu.memory_space<vmem>>, vector<400x128xf32>
    %add3A = arith.addf %get3A_1, %get3A_4 : vector<400x128xf32>
    %get3A_5 = arith.constant 0 : index
    %get3A_6 = arith.constant 0 : index
    %get3A_7 = vector.load %arg1[%get3A_5, %get3A_6] : memref<400x128xf32, #tpu.memory_space<vmem>>, vector<400x128xf32>
    %sub3A = arith.subf %add3A, %get3A_7 : vector<400x128xf32>
    %swap3A = arith.constant 0 : index
    %swap3A_8 = arith.constant 0 : index
    %swap3A_9 = vector.load %arg4[%swap3A, %swap3A_8] : memref<400x128xf32, #tpu.memory_space<vmem>>, vector<400x128xf32>
    tpu.vector_store %arg4[%swap3A, %swap3A_8], %sub3A {strides = array<i32>} : memref<400x128xf32, #tpu.memory_space<vmem>>, vector<400x128xf32>,
    return
  }
  func.func @transform_0(%arg0: i32) -> (i32, i32) {
    %c0_i32 = arith.constant 0 : i32
    %c0_i32_0 = arith.constant 0 : i32
    return %arg0, %c0_i32 : i32, i32
  }
  func.func @transform_1(%arg0: i32) -> (i32, i32) {
    %c0_i32 = arith.constant 0 : i32
    %c0_i32_0 = arith.constant 0 : i32
    return %arg0, %c0_i32 : i32, i32
  }
  func.func @transform_2(%arg0: i32) -> (i32, i32) {
    %c0_i32 = arith.constant 0 : i32
    %c0_i32_0 = arith.constant 0 : i32
    return %arg0, %c0_i32 : i32, i32
  }
  func.func @transform_3(%arg0: i32) -> (i32, i32) {
    %c0_i32 = arith.constant 0 : i32
    %c0_i32_0 = arith.constant 0 : i32
    return %arg0, %c0_i32 : i32, i32
  }
}

</mosaic_0001>

<sc_bundles>
// kernel: kernel.4.cloned.1.call-start
scs
__scs_entry_jumppad:
0x0: {  	(pc) =	sbr.rel $0x88, $3  }
0x1: {  	(tag) =	ssettag $0x0;
	lr =	simm.s32 $0x1  }
0x2: {  	[smem:$0x3F9F] =	sst lr;
	_ =	strace $0xD0000000  }
0x3: {  	_ = 	snop  }
0x4: {  	_ = 	snop  }
0x5: {  	_ = 	snop  }
0x6: {  	_ = 	snop  }
0x7: {  	_ = 	snop  }
__scs_overlays_trampoline_lowered:
0x8: {  	[smem:$0x3FAE] =	sst s0  }
0x9: {  	[smem:$0x3FAF] =	sst s1  }
0xa: {  	[smem:$0x3FB0] =	sst s2  }
0xb: {  	[smem:$0x3FB1] =	sst s3  }
0xc: {  	[smem:$0x3FB2] =	sst s4  }
0xd: {  	[smem:$0x3FB3] =	sst s5  }
0xe: {  	[smem:$0x3FB4] =	sst s6  }
0xf: {  	[smem:$0x3FB5] =	sst s7  }
0x10: {  	[smem:$0x3FB6] =	sst s8  }
0x11: {  	[smem:$0x3FB7] =	sst s9;
	s0 =	simm.s32 @!p0 $0x0  }
0x12: {  	s1 =	sld [smem:$0x3F9D];
	s0 =	simm.s32 @p0 $0x1  }
0x13: {  	[smem:$0x3FB8] =	sst s0;
	s0 =	simm.s32 @!p1 $0x0  }
0x14: {  	s2 =	sld [smem:$0x3F9C];
	s0 =	simm.s32 @p1 $0x1  }
0x15: {  	[smem:$0x3FB9] =	sst s0;
	s0 =	simm.s32 @!p2 $0x0  }
0x16: {  	s3 =	sld [smem:$0x3FDB];
	s0 =	simm.s32 @p2 $0x1  }
0x17: {  	s4 =	simm.s32 $0x1BF5;
	[smem:$0x3FBB] =	sst s0  }
0x18: {  	s0 =	sld [smem:$0x3F9E];
	_ =	swait.ge [sflag:s4], $0x0  }
0x19: {  	s7 =	sld [smem:$0x3F9F]  }
0x1a: {  	s8 =	sadd.s32 $0xFFFFE003, lr  }
0x1b: {  	s9 =	sadd.s32 $0xFFFFFEF7, lr;
	s5 =	simm.s32 $0xFFFFFFFF;
	p2 =	slt.u32 s8, $0xFFFFF086  }
0x1c: {  	p1 =	slt.u32 s9, $0xF7A;
	s5 =	simm.s32 @!p2 $0x0  }
0x1d: {  	s5 =	simm.s32 @p1 $0x1;
	p0 =	seq.s32 s7, s2  }
0x1e: {  	s7 =	smul.u32 @!p0 $0xF7A, s2;
	p2 =	seq.s32 @!p0 s5, $0x0  }
0x1f: {  	s9 =	smul.u32 $0xF7A, s1;
	s8 =	simm.s32 @!p0 $0x1BF5;
	p2 =	por !p2, p0  }
0x20: {  	[sflag:s8] =	ssyncset.s32 @!p0 $0xFFFFF086;
	s6 =	sadd.s32 @!p0 s3, s7;
	s7 =	simm.s32 @!p0 $0x108  }
0x21: {  	s3 =	sadd.s32 s3, s9;
	s6 =	sadd.s32 @!p0 $0x88, s6;
	s7 =	simm.s32 @p2 $0x1082  }
0x22: {  	[simem:s7], [sflag:s8] =	dma.local @!p0 [hbm:s6], $0xF7A  }
0x23: {  	s9 =	sor.u32 $0xD0000000, s2;
	s6 =	simm.s32 $0x108;
	_ =	swait.ge @!p0 [sflag:s8], $0x0  }
0x24: {  	s3 =	sadd.s32 $0x88, s3;
	s6 =	simm.s32 @!p1 $0x1082;
	[sflag:s4] =	ssyncset.s32 $0xFFFFF086  }
0x25: {  	[simem:s6], [sflag:s4] =	dma.local [hbm:s3], $0xF7A  }
0x26: {  	[smem:$0x3F9F] =	sst s1;
	(tag) =	ssettag s2;
	_ =	strace s9  }
0x27: {  	s1 =	sld [smem:$0x3FAF]  }
0x28: {  	s2 =	sld [smem:$0x3FB0]  }
0x29: {  	s4 =	sld [smem:$0x3FB2]  }
0x2a: {  	p0 =	seq.s32 s5, $0x0;
	s5 =	sld [smem:$0x3FB3]  }
0x2b: {  	s6 =	sld [smem:$0x3FB4]  }
0x2c: {  	s7 =	sld [smem:$0x3FB5]  }
0x2d: {  	s3 =	simm.s32 $0x108;
	s8 =	sld [smem:$0x3FB6]  }
0x2e: {  	s3 =	simm.s32 @!p0 $0x1082;
	s9 =	sld [smem:$0x3FB7]  }
0x2f: {  	lr =	sadd.s32 s0, s3;
	s0 =	sld [smem:$0x3FAE]  }
0x30: {  	s3 =	sld [smem:$0x3FB1]  }
0x31: {  	[smem:$0x3FBA] =	sst s10  }
0x32: {  	s10 =	sld [smem:$0x3FB8];
	_ =	sdelay $0x3  }
0x33: {  	p0 =	seq.s32 s10, $0x1;
	s10 =	sld [smem:$0x3FBA];
	_ =	sdelay $0x3  }
0x34: {  	[smem:$0x3FBA] =	sst s10  }
0x35: {  	s10 =	sld [smem:$0x3FB9];
	_ =	sdelay $0x3  }
0x36: {  	p1 =	seq.s32 s10, $0x1;
	s10 =	sld [smem:$0x3FBA];
	_ =	sdelay $0x3  }
0x37: {  	[smem:$0x3FBA] =	sst s10  }
0x38: {  	s10 =	sld [smem:$0x3FBB]  }
0x39: {  	_ = 	snop;
	(pc) =	sbr.ind lr, $3  }
0x3a: {  	_ = 	snop  }
0x3b: {  	_ = 	snop  }
0x3c: {  	p2 =	seq.s32 s10, $0x1;
	s10 =	sld [smem:$0x3FBA]  }
0x3d: {  	_ =	shalt  }
0x3e: {  	_ =	shalt  }
0x3f: {  	_ =	shalt  }
0x40: {  	_ =	shalt  }
0x41: {  	_ =	shalt  }
0x42: {  	_ =	shalt  }
0x43: {  	_ =	shalt  }
0x44: {  	_ =	shalt  }
0x45: {  	_ =	shalt  }
0x46: {  	_ =	shalt  }
0x47: {  	_ =	shalt  }
0x48: {  	_ =	shalt  }
0x49: {  	_ =	shalt  }
0x4a: {  	_ =	shalt  }
0x4b: {  	_ =	shalt  }
0x4c: {  	_ =	shalt  }
0x4d: {  	_ =	shalt  }
0x4e: {  	_ =	shalt  }
0x4f: {  	_ =	shalt  }
0x50: {  	_ =	shalt  }
0x51: {  	_ =	shalt  }
0x52: {  	_ =	shalt  }
0x53: {  	_ =	shalt  }
0x54: {  	_ =	shalt  }
0x55: {  	_ =	shalt  }
0x56: {  	_ =	shalt  }
0x57: {  	_ =	shalt  }
0x58: {  	_ =	shalt  }
0x59: {  	_ =	shalt  }
0x5a: {  	_ =	shalt  }
0x5b: {  	_ =	shalt  }
0x5c: {  	_ =	shalt  }
0x5d: {  	_ =	shalt  }
0x5e: {  	_ =	shalt  }
0x5f: {  	_ =	shalt  }
0x60: {  	_ =	shalt  }
0x61: {  	_ =	shalt  }
0x62: {  	_ =	shalt  }
0x63: {  	_ =	shalt  }
0x64: {  	_ =	shalt  }
0x65: {  	_ =	shalt  }
0x66: {  	_ =	shalt  }
0x67: {  	_ =	shalt  }
0x68: {  	_ =	shalt  }
0x69: {  	_ =	shalt  }
0x6a: {  	_ =	shalt  }
0x6b: {  	_ =	shalt  }
0x6c: {  	_ =	shalt  }
0x6d: {  	_ =	shalt  }
0x6e: {  	_ =	shalt  }
0x6f: {  	_ =	shalt  }
0x70: {  	_ =	shalt  }
0x71: {  	_ =	shalt  }
0x72: {  	_ =	shalt  }
0x73: {  	_ =	shalt  }
0x74: {  	_ =	shalt  }
0x75: {  	_ =	shalt  }
0x76: {  	_ =	shalt  }
0x77: {  	_ =	shalt  }
0x78: {  	_ =	shalt  }
0x79: {  	_ =	shalt  }
0x7a: {  	_ =	shalt  }
0x7b: {  	_ =	shalt  }
0x7c: {  	_ =	shalt  }
0x7d: {  	_ =	shalt  }
0x7e: {  	_ =	shalt  }
0x7f: {  	_ =	shalt  }
0x80: {  	_ =	shalt  }
0x81: {  	_ =	shalt  }
0x82: {  	_ =	shalt  }
0x83: {  	_ =	shalt  }
0x84: {  	_ =	shalt  }
0x85: {  	_ =	shalt  }
0x86: {  	_ =	shalt  }
0x87: {  	_ =	shalt  }
.Lfunc_end0:
.L_simem_size_0:
called_computation_lowered:
.L_overlay_start_0:
0x88: {  	s2 =	sld [smem:$0x3FD9]  }
0x89: {  	s3 =	sld [smem:$0x3FFE];
	_ =	sdelay $0x1  }
0x8a: {  	s1 =	srdreg.scid  }
0x8b: {  	s0 =	sand.u32 $0x1, s1  }
0x8c: {  	s17 =	sshll.u32 s0, $0xA;
	s2 =	sadd.s32 s3, s2  }
0x8d: {  	s2 =	sadd.s32 s2, s17  }
0x8e: {  	[smem:$0x3FC6] =	sst s2  }
0x8f: {  	_ = 	snop  }
0x90: {  	s2 =	sld [smem:$0x3FC9];
	(tm) =	ssettm $0x1  }
0x91: {  	s18 =	sld [smem:$0x3FFB];
	_ =	sdelay $0x3  }
0x92: {  	_ =	strace s18  }
0x93: {  	s3 =	sld [smem:$0x3FFC];
	_ =	sdelay $0x3  }
0x94: {  	_ =	strace s3  }
0x95: {  	s3 =	sld [smem:$0x3FFD];
	_ =	sdelay $0x3  }
0x96: {  	_ =	strace s3  }
0x97: {  	_ =	strace $0x8FFFFFFF  }
0x98: {  	s19 =	sld [smem:$0x3FDB];
	_ =	sdelay $0x1  }
0x99: {  	s4 =	simm.s32 $_scs_section_size  }
0x9a: {  	s5 =	simm.s32 $_size__tile_overlayer_lowered;
	s6 =	simm.s32 $_tile_overlayer_lowered  }
0x9b: {  	s22 =	simm.s32 $0x1BFF;
	s21 =	sshll.u32 s6, $0x1;
	s3 =	sadd.s32 s4, s19  }
0x9c: {  	s7 =	simm.s32 $0x0;
	s20 =	sshll.u32 s5, $0x1;
	s5 =	sadd.s32 s21, s3  }
0x9d: {  	[timem:s7], [sflag:s22] =	dma.local [hbm:s5], s20  }
0x9e: {  	_ =	swait.ge [sflag:s22], s20  }
0x9f: {  	s4 =	ssub.s32 $0x0, s20;
	[sflag:s22] =	ssyncset.done $0x0  }
0xa0: {  	[sflag:s22] =	ssyncadd.s32 s4;
	_ =	sdelay $0x1  }
0xa1: {  	s23 =	simm.s32 $0x1B8B  }
0xa2: {  	_ =	swait.ge [sflag:s23], $0x1  }
0xa3: {  	[sflag:s23] =	ssyncset.done $0x0  }
0xa4: {  	s25 =	simm.s32 $0x1B8E;
	s24 =	sld [smem:$0x3FFE];
	[sflag:s23] =	ssyncadd.s32 $0xFFFFFFFF  }
0xa5: {  	s26 =	simm.s32 $execute0_lowered;
	[smem:$0x3FD2] =	sst s25  }
0xa6: {  	s5 =	sshll.u32 s26, $0x1;
	_ =	strace $0x80000046;
	[dreg:$0x1] =	wrdreg $0xFFFFFFFF  }
0xa7: {  	s28 =	simm.s32 $_size_execute0_lowered;
	s3 =	sadd.s32 s3, s5;
	[dreg:$0x0] =	wrdreg $0x0  }
0xa8: {  	s5 =	sshll.u32 s28, $0x1;
	[dreg:$0x2] =	wrdreg s3  }
0xa9: {  	[dreg:$0x3] =	wrdreg s5  }
0xaa: {  	[dreg:$0x4] =	wrdreg $0xC0  }
0xab: {  	_ =	task [dreg:s7], $0x5FFFF  }
0xac: {  	[dreg:$0x1] =	wrdreg $0xFFFFFFFF  }
0xad: {  	[dreg:$0x0] =	wrdreg $0x60  }
0xae: {  	[dreg:$0x2] =	wrdreg s2  }
0xaf: {  	[dreg:$0x3] =	wrdreg s24  }
0xb0: {  	[dreg:$0x4] =	wrdreg $0x6E000  }
0xb1: {  	[dreg:$0x5] =	wrdreg $0x9  }
0xb2: {  	_ =	task.clear_ibuf [dreg:s7], $0x6FFFF;
	_ =	strace $0x90000046  }
0xb3: {  	s29 =	simm.s32 $0x9;
	_ =	strace $0x80000048  }
0xb4: {  	_ =	swait.ge [sflag:s29], $0x1  }
0xb5: {  	[sflag:s29] =	ssyncadd.s32 $0xFFFFFFFF  }
0xb6: {  	_ =	strace $0x90000048  }
0xb7: {  	_ =	sfence  }
0xb8: {  	s30 =	sld [smem:$0x0];
	_ =	sdelay $0x2  }
0xb9: {  	s31 =	sshll.u32 s1, $0xD;
	s1 =	sshrl.u32 s1, $0x2  }
0xba: {  	s3 =	sand.u32 $0x4000, s31;
	s1 =	sadd.s32 s1, s30  }
0xbb: {  	s0 =	sor.u32 s3, s0;
	s1 =	sshll.u32 s1, $0x11  }
0xbc: {  	s0 =	sor.u32 s1, s0  }
0xbd: {  	s0 =	sadd.s32 $0x8F2B, s0  }
0xbe: {  	[sflag:s0] =	ssyncadd.remote.s32 $0x1  }
0xbf: {  	_ =	sfence.sel $0xFFFF  }
0xc0: {  	[dreg:$0x0] =	wrdreg $0xFFFFFFFF;
	(pc) =	sbr.abs _section_cstart, $3  }
0xc1: {  	[dreg:$0x1] =	wrdreg $0xFFFFFFFF  }
0xc2: {  	_ =	task.clear_ibuf [dreg:s7], $0x2FFFF;
	_ =	strace $0x9FFFFFFF  }
0xc3: {  	(tm) =	ssettm $0x7FFFFFFF  }
tec
execute0_lowered:
.L_overlay_start_1:
0x0: {  	(tag) =	ssettag $0x1  }
0x1: {  	s1 =	rddreg [dreg:$0x0]  }
0x2: {  	s0 =	rddreg [dreg:$0x1]  }
0x3: {  	s3 =	rddreg [dreg:$0x2];
	s2 =	srdreg.scid  }
0x4: {  	s4 =	simm.s32 $0x0;
	s12 =	stileid.u32;
	s17 =	simm.s32 $0x6400  }
0x5: {  	s29 =	simm.s32 $0x5000;
	s30 =	simm.s32 $0x1;
	s6 =	smul.u32 $0x4E000, s12  }
0x6: {  	s15 =	simm.s32 $0x6A80;
	s16 =	simm.s32 $0x6B80;
	s8 =	smul.u32 $0x2700, s12  }
0x7: {  	s2 =	sand.u32 $0x1, s2;
	[smem:$0x7FF] =	sst s4;
	s18 =	smul.u32 $0x13800, s12  }
0x8: {  	s19 =	smul.u32 $0xFA00, s12;
	s14 =	sadd.s32 $0x24900, s1;
	p0 =	seq.s32 s12, $0xF  }
0x9: {  	s5 =	sshll.u32 s2, $0x4;
	_ =	strace $0x80000047;
	s11 =	smul.u32 $0x138800, s2  }
0xa: {  	s9 =	ssub.s32 $0x2, s2;
	s2 =	smul.u32 $0xFA000, s2;
	[dreg:$0x7] =	wrdreg s14  }
0xb: {  	s14 =	simm.s32 $0x6980;
	s7 =	sor.u32 s12, s5;
	s5 =	sadd.s32 $0x600, s0  }
0xc: {  	s0 =	sadd.s32 $0x3EE00, s0;
	s10 =	sshrl.u32 s9, $0x1;
	s6 =	sshrl.u32 s6, $0x2  }
0xd: {  	s8 =	sadd.s32 s1, s8;
	s7 =	smul.u32 $0xFA00, s7;
	s9 =	ssub.s32 s9, s10  }
0xe: {  	s6 =	sadd.s32 s6, s3;
	[dreg:$0x5] =	wrdreg s8;
	s8 =	sadd.s32 $0x124800, s3  }
0xf: {  	s10 =	sadd.s32 s18, s11;
	s11 =	sshrl.u32 s11, $0x3;
	s2 =	sadd.s32 s19, s2  }
0x10: {  	s18 =	simm.s32 $0x6900;
	s19 =	simm.s32 $0x3;
	s20 =	sshrl.u32 s10, $0x3  }
0x11: {  	s21 =	sadd.s32 s0, s11;
	s22 =	sadd.s32 $0xF00, s2;
	s25 =	smax.u32 s9, $0x1  }
0x12: {  	s26 =	sadd.s32 $0xA00, s2;
	s8 =	sshrl.u32 @p0 s8, $0x3;
	s28 =	sshrl.u32 @!p0 s6, $0x3  }
0x13: {  	s9 =	simm.s32 $0x2;
	s10 =	simm.s32 $0x6A00;
	s11 =	simm.s32 $0x6B00  }
0x14: {  	s2 =	simm.s32 $0x0;
	s6 =	simm.s32 $0x6600;
	[dreg:$0xb] =	wrdreg s25  }
0x15: {  	s7 =	sshrl.u32 s7, $0x3;
	s0 =	sadd.s32 s0, s20;
	[dreg:$0xc] =	wrdreg s26  }
0x16: {  	s23 =	sadd.s32 $0x24900, s21;
	s24 =	sshrl.u32 s22, $0x3;
	[dreg:$0xd] =	wrdreg s8  }
0x17: {  	s20 =	simm.s32 $0x28;
	s22 =	simm.s32 $0x1400;
	[dreg:$0xf] =	wrdreg s28  }
0x18: {  	s26 =	simm.s32 $0x3C00;
	s21 =	simm.s32 $0x6C80;
	[dreg:$0x9] =	wrdreg s0  }
0x19: {  	s13 =	sadd.s32 s5, s7;
	[dreg:$0xa] =	wrdreg s23;
	s0 =	sadd.s32 s24, s5  }
0x1a: {  	s24 =	simm.s32 $0x2800;
	s7 =	simm.s32 $0x4;
	[dreg:$0x6] =	wrdreg s13  }
0x1b: {  	s13 =	sadd.s32 $0xA0, s13;
	[dreg:$0x4] =	wrdreg s0;
	s0 =	sshll.u32 @!p0 s12, $0x6  }
0x1c: {  	s23 =	simm.s32 $0x6D80;
	[dreg:$0x8] =	wrdreg s13;
	s31 =	sor.u32 @!p0 $0x1C05, s0  }
0x1d: {  	s12 =	simm.s32 $0x6C00;
	s13 =	simm.s32 $0x6D00;
	[dreg:$0xe] =	wrdreg s31  }
.LBB2_1:
0x1e: {  	[dreg:$0x10] =	wrdreg s2  }
0x1f: {  	s25 =	simm.s32 @p0 $0x1FC5;
	s0 =	rddreg [dreg:$0x7]  }
0x20: {  	[spmem:s8], [sflag:s25] =	dma.local @p0 [hbm:s0], $0x2800  }
0x21: {  	s25 =	simm.s32 @p0 $0x5  }
0x22: {  	_ =	swait.ge @p0 [sflag:s25], $0x2800  }
0x23: {  	[sflag:s25] =	ssyncset.done @p0 $0x0  }
0x24: {  	s0 =	rddreg [dreg:$0x5];
	[sflag:s25] =	ssyncadd.s32 @p0 $0xFFFFD800;
	s25 =	simm.s32 @!p0 $0x5  }
0x25: {  	[spmem:s28], [sflag:s31] =	dma.local @!p0 [hbm:s0], $0x2700  }
0x26: {  	_ =	swait.ge @!p0 [sflag:s25], $0x2700  }
0x27: {  	[sflag:s25] =	ssyncset.done @!p0 $0x0  }
0x28: {  	[sflag:s25] =	ssyncadd.s32 @!p0 $0xFFFFD900  }
0x29: {  	[bflag:$0x0] =	sbarrier.arrive $0xFFFF  }
0x2a: {  	s8 =	rddreg [dreg:$0x6]  }
0x2b: {  	[tilespmem:s17], [sflag:$0x3] =	stream.linear.gather [hbm4b:s8+s4], $0x500, $0x38;
	[tilespmem:$0x1A680] =	vst v63  }
0x2c: {  	s25 =	rddreg [dreg:$0x8]  }
0x2d: {  	[tilespmem:s18], [sflag:$0x4] =	stream.linear.gather [hbm4b:s25+s4], $0x500, $0x38;
	[tilespmem:$0x1A680] =	vst v63  }
0x2e: {  	_ =	swait.ge [sflag:s19], $0x500  }
0x2f: {  	[sflag:s19] =	ssyncset.done $0x0  }
0x30: {  	[sflag:s19] =	ssyncadd.s32 $0xFFFFFB00  }
0x31: {  	[tilespmem:s4], [sflag:$0x1] =	stream.indirect.gather [hbm4b:s1+s20], $0x80, s17, s20, $0xb8;
	[tilespmem:$0x1A680] =	vst v63  }
0x32: {  	s2 =	simm.s32 $0x6500  }
0x33: {  	[tilespmem:s22], [sflag:$0x1] =	stream.indirect.gather [hbm4b:s1+s20], $0x80, s2, s20, $0xb8;
	[tilespmem:$0x1A680] =	vst v63  }
0x34: {  	_ = 	snop  }
0x35: {  	[tilespmem:s24], [sflag:$0x1] =	stream.indirect.gather [hbm4b:s1+s20], $0x80, s6, s20, $0xb8;
	[tilespmem:$0x1A680] =	vst v63  }
0x36: {  	s8 =	simm.s32 $0x6700  }
0x37: {  	[tilespmem:s26], [sflag:$0x1] =	stream.indirect.gather [hbm4b:s1+s20], $0x80, s8, s20, $0xb8;
	[tilespmem:$0x1A680] =	vst v63  }
0x38: {  	s31 =	simm.s32 $0x6800  }
0x39: {  	[tilespmem:s29], [sflag:$0x1] =	stream.indirect.gather [hbm4b:s1+s20], $0x80, s31, s20, $0xb8;
	[tilespmem:$0x1A680] =	vst v63  }
0x3a: {  	_ =	swait.ge [sflag:s30], $0x6400  }
0x3b: {  	[sflag:s30] =	ssyncset.done $0x0  }
0x3c: {  	s25 =	simm.s32 $0x6480;
	[sflag:s30] =	ssyncadd.s32 $0xFFFF9C00  }
0x3d: {  	[spmem:s3] =	stream.indirect.scatter.add.f32 [tilespmem:s4], [sflag:$0x2], $0x80, s25, s20, $0xb8;
	[tilespmem:$0x1A680] =	vst v63  }
0x3e: {  	s31 =	simm.s32 $0x6580  }
0x3f: {  	[spmem:s3] =	stream.indirect.scatter.add.f32 [tilespmem:s22], [sflag:$0x2], $0x80, s31, s20, $0xb8;
	[tilespmem:$0x1A680] =	vst v63  }
0x40: {  	s25 =	simm.s32 $0x6680  }
0x41: {  	[spmem:s3] =	stream.indirect.scatter.add.f32 [tilespmem:s24], [sflag:$0x2], $0x80, s25, s20, $0xb8;
	[tilespmem:$0x1A680] =	vst v63  }
0x42: {  	s31 =	simm.s32 $0x6780  }
0x43: {  	[spmem:s3] =	stream.indirect.scatter.add.f32 [tilespmem:s26], [sflag:$0x2], $0x80, s31, s20, $0xb8;
	[tilespmem:$0x1A680] =	vst v63  }
0x44: {  	s25 =	simm.s32 $0x6880  }
0x45: {  	[spmem:s3] =	stream.indirect.scatter.add.f32 [tilespmem:s29], [sflag:$0x2], $0x80, s25, s20, $0xb8;
	[tilespmem:$0x1A680] =	vst v63  }
0x46: {  	_ =	swait.ge [sflag:s9], $0x6400  }
0x47: {  	s0 =	rddreg [dreg:$0xc]  }
0x48: {  	[sflag:s9] =	ssyncset.done $0x0;
	s31 =	sshrl.u32 s0, $0x3  }
0x49: {  	[sflag:s9] =	ssyncadd.s32 $0xFFFF9C00;
	s25 =	sadd.s32 s5, s31  }
0x4a: {  	[tilespmem:s17], [sflag:$0x3] =	stream.linear.gather [hbm4b:s25+s4], $0x500, $0x38;
	[tilespmem:$0x1A680] =	vst v63  }
0x4b: {  	_ =	swait.ge [sflag:s7], $0x500  }
0x4c: {  	[sflag:s7] =	ssyncset.done $0x0  }
0x4d: {  	[sflag:s7] =	ssyncadd.s32 $0xFFFFFB00  }
0x4e: {  	[tilespmem:s4], [sflag:$0x1] =	stream.indirect.gather [hbm4b:s1+s20], $0x80, s18, s20, $0xb8;
	[tilespmem:$0x1A680] =	vst v63  }
0x4f: {  	_ = 	snop  }
0x50: {  	[tilespmem:s22], [sflag:$0x1] =	stream.indirect.gather [hbm4b:s1+s20], $0x80, s10, s20, $0xb8;
	[tilespmem:$0x1A680] =	vst v63  }
0x51: {  	_ = 	snop  }
0x52: {  	[tilespmem:s24], [sflag:$0x1] =	stream.indirect.gather [hbm4b:s1+s20], $0x80, s11, s20, $0xb8;
	[tilespmem:$0x1A680] =	vst v63  }
0x53: {  	_ = 	snop  }
0x54: {  	[tilespmem:s26], [sflag:$0x1] =	stream.indirect.gather [hbm4b:s1+s20], $0x80, s12, s20, $0xb8;
	[tilespmem:$0x1A680] =	vst v63  }
0x55: {  	_ = 	snop  }
0x56: {  	[tilespmem:s29], [sflag:$0x1] =	stream.indirect.gather [hbm4b:s1+s20], $0x80, s13, s20, $0xb8;
	[tilespmem:$0x1A680] =	vst v63  }
0x57: {  	_ =	swait.ge [sflag:s30], $0x6400  }
0x58: {  	[sflag:s30] =	ssyncset.done $0x0  }
0x59: {  	[sflag:s30] =	ssyncadd.s32 $0xFFFF9C00  }
0x5a: {  	[spmem:s3] =	stream.indirect.scatter.add.f32 [tilespmem:s4], [sflag:$0x2], $0x80, s14, s20, $0xb8;
	[tilespmem:$0x1A680] =	vst v63  }
0x5b: {  	_ = 	snop  }
0x5c: {  	[spmem:s3] =	stream.indirect.scatter.add.f32 [tilespmem:s22], [sflag:$0x2], $0x80, s15, s20, $0xb8;
	[tilespmem:$0x1A680] =	vst v63  }
0x5d: {  	_ = 	snop  }
0x5e: {  	[spmem:s3] =	stream.indirect.scatter.add.f32 [tilespmem:s24], [sflag:$0x2], $0x80, s16, s20, $0xb8;
	[tilespmem:$0x1A680] =	vst v63  }
0x5f: {  	_ = 	snop  }
0x60: {  	[spmem:s3] =	stream.indirect.scatter.add.f32 [tilespmem:s26], [sflag:$0x2], $0x80, s21, s20, $0xb8;
	[tilespmem:$0x1A680] =	vst v63  }
0x61: {  	_ = 	snop  }
0x62: {  	[spmem:s3] =	stream.indirect.scatter.add.f32 [tilespmem:s29], [sflag:$0x2], $0x80, s23, s20, $0xb8;
	[tilespmem:$0x1A680] =	vst v63  }
0x63: {  	_ =	swait.ge [sflag:s9], $0x6400  }
0x64: {  	s31 =	rddreg [dreg:$0x4];
	[sflag:s9] =	ssyncset.done $0x0  }
0x65: {  	[sflag:s9] =	ssyncadd.s32 $0xFFFF9C00;
	s25 =	sadd.s32 $0x0, s31  }
0x66: {  	[tilespmem:s18], [sflag:$0x4] =	stream.linear.gather [hbm4b:s25+s4], $0x500, $0x38;
	[tilespmem:$0x1A680] =	vst v63  }
0x67: {  	_ =	swait.ge [sflag:s19], $0x500  }
0x68: {  	[sflag:s19] =	ssyncset.done $0x0  }
0x69: {  	[sflag:s19] =	ssyncadd.s32 $0xFFFFFB00  }
0x6a: {  	[tilespmem:s4], [sflag:$0x1] =	stream.indirect.gather [hbm4b:s1+s20], $0x80, s17, s20, $0xb8;
	[tilespmem:$0x1A680] =	vst v63  }
0x6b: {  	_ = 	snop  }
0x6c: {  	[tilespmem:s22], [sflag:$0x1] =	stream.indirect.gather [hbm4b:s1+s20], $0x80, s2, s20, $0xb8;
	[tilespmem:$0x1A680] =	vst v63  }
0x6d: {  	_ = 	snop  }
0x6e: {  	[tilespmem:s24], [sflag:$0x1] =	stream.indirect.gather [hbm4b:s1+s20], $0x80, s6, s20, $0xb8;
	[tilespmem:$0x1A680] =	vst v63  }
0x6f: {  	s28 =	sadd.s32 $0xA00, s0;
	s25 =	simm.s32 $0x140  }
0x70: {  	[tilespmem:s26], [sflag:$0x1] =	stream.indirect.gather [hbm4b:s1+s20], $0x80, s8, s20, $0xb8;
	[tilespmem:$0x1A680] =	vst v63  }
.LBB2_2:
0x71: {  	s0 =	simm.s32 $0x6800  }
0x72: {  	[tilespmem:s29], [sflag:$0x1] =	stream.indirect.gather [hbm4b:s1+s20], $0x80, s0, s20, $0xb8;
	[tilespmem:$0x1A680] =	vst v63  }
0x73: {  	_ =	swait.ge [sflag:s30], $0x6400  }
0x74: {  	[sflag:s30] =	ssyncset.done $0x0  }
0x75: {  	s0 =	simm.s32 $0x6480;
	[sflag:s30] =	ssyncadd.s32 $0xFFFF9C00  }
0x76: {  	[spmem:s3] =	stream.indirect.scatter.add.f32 [tilespmem:s4], [sflag:$0x2], $0x80, s0, s20, $0xb8;
	[tilespmem:$0x1A680] =	vst v63  }
0x77: {  	s0 =	simm.s32 $0x6580  }
0x78: {  	[spmem:s3] =	stream.indirect.scatter.add.f32 [tilespmem:s22], [sflag:$0x2], $0x80, s0, s20, $0xb8;
	[tilespmem:$0x1A680] =	vst v63  }
0x79: {  	s0 =	simm.s32 $0x6680  }
0x7a: {  	[spmem:s3] =	stream.indirect.scatter.add.f32 [tilespmem:s24], [sflag:$0x2], $0x80, s0, s20, $0xb8;
	[tilespmem:$0x1A680] =	vst v63  }
0x7b: {  	s0 =	simm.s32 $0x6780  }
0x7c: {  	[spmem:s3] =	stream.indirect.scatter.add.f32 [tilespmem:s26], [sflag:$0x2], $0x80, s0, s20, $0xb8;
	[tilespmem:$0x1A680] =	vst v63  }
0x7d: {  	s0 =	simm.s32 $0x6880  }
0x7e: {  	[spmem:s3] =	stream.indirect.scatter.add.f32 [tilespmem:s29], [sflag:$0x2], $0x80, s0, s20, $0xb8;
	[tilespmem:$0x1A680] =	vst v63  }
0x7f: {  	_ =	swait.ge [sflag:s9], $0x6400  }
0x80: {  	s0 =	sshrl.u32 s28, $0x3;
	[sflag:s9] =	ssyncset.done $0x0  }
0x81: {  	s0 =	sadd.s32 s5, s0;
	[sflag:s9] =	ssyncadd.s32 $0xFFFF9C00  }
0x82: {  	[tilespmem:s17], [sflag:$0x3] =	stream.linear.gather [hbm4b:s0+s4], $0x500, $0x38;
	[tilespmem:$0x1A680] =	vst v63  }
0x83: {  	_ =	swait.ge [sflag:s7], $0x500  }
0x84: {  	[sflag:s7] =	ssyncset.done $0x0  }
0x85: {  	[sflag:s7] =	ssyncadd.s32 $0xFFFFFB00  }
0x86: {  	[tilespmem:s4], [sflag:$0x1] =	stream.indirect.gather [hbm4b:s1+s20], $0x80, s18, s20, $0xb8;
	[tilespmem:$0x1A680] =	vst v63  }
0x87: {  	_ = 	snop  }
0x88: {  	[tilespmem:s22], [sflag:$0x1] =	stream.indirect.gather [hbm4b:s1+s20], $0x80, s10, s20, $0xb8;
	[tilespmem:$0x1A680] =	vst v63  }
0x89: {  	_ = 	snop  }
0x8a: {  	[tilespmem:s24], [sflag:$0x1] =	stream.indirect.gather [hbm4b:s1+s20], $0x80, s11, s20, $0xb8;
	[tilespmem:$0x1A680] =	vst v63  }
0x8b: {  	_ = 	snop  }
0x8c: {  	[tilespmem:s26], [sflag:$0x1] =	stream.indirect.gather [hbm4b:s1+s20], $0x80, s12, s20, $0xb8;
	[tilespmem:$0x1A680] =	vst v63  }
0x8d: {  	_ = 	snop  }
0x8e: {  	[tilespmem:s29], [sflag:$0x1] =	stream.indirect.gather [hbm4b:s1+s20], $0x80, s13, s20, $0xb8;
	[tilespmem:$0x1A680] =	vst v63  }
0x8f: {  	_ =	swait.ge [sflag:s30], $0x6400  }
0x90: {  	[sflag:s30] =	ssyncset.done $0x0  }
0x91: {  	[sflag:s30] =	ssyncadd.s32 $0xFFFF9C00  }
0x92: {  	[spmem:s3] =	stream.indirect.scatter.add.f32 [tilespmem:s4], [sflag:$0x2], $0x80, s14, s20, $0xb8;
	[tilespmem:$0x1A680] =	vst v63  }
0x93: {  	_ = 	snop  }
0x94: {  	[spmem:s3] =	stream.indirect.scatter.add.f32 [tilespmem:s22], [sflag:$0x2], $0x80, s15, s20, $0xb8;
	[tilespmem:$0x1A680] =	vst v63  }
0x95: {  	_ = 	snop  }
0x96: {  	[spmem:s3] =	stream.indirect.scatter.add.f32 [tilespmem:s24], [sflag:$0x2], $0x80, s16, s20, $0xb8;
	[tilespmem:$0x1A680] =	vst v63  }
0x97: {  	_ = 	snop  }
0x98: {  	[spmem:s3] =	stream.indirect.scatter.add.f32 [tilespmem:s26], [sflag:$0x2], $0x80, s21, s20, $0xb8;
	[tilespmem:$0x1A680] =	vst v63  }
0x99: {  	_ = 	snop  }
0x9a: {  	[spmem:s3] =	stream.indirect.scatter.add.f32 [tilespmem:s29], [sflag:$0x2], $0x80, s23, s20, $0xb8;
	[tilespmem:$0x1A680] =	vst v63  }
0x9b: {  	_ =	swait.ge [sflag:s9], $0x6400  }
0x9c: {  	s31 =	smov.u32 s25;
	s0 =	rddreg [dreg:$0x4];
	[sflag:s9] =	ssyncset.done $0x0  }
0x9d: {  	[sflag:s9] =	ssyncadd.s32 $0xFFFF9C00;
	s0 =	sadd.s32 s31, s0  }
0x9e: {  	[tilespmem:s18], [sflag:$0x4] =	stream.linear.gather [hbm4b:s0+s4], $0x500, $0x38;
	[tilespmem:$0x1A680] =	vst v63  }
0x9f: {  	_ =	swait.ge [sflag:s19], $0x500  }
0xa0: {  	[sflag:s19] =	ssyncset.done $0x0  }
0xa1: {  	[sflag:s19] =	ssyncadd.s32 $0xFFFFFB00  }
0xa2: {  	[tilespmem:s4], [sflag:$0x1] =	stream.indirect.gather [hbm4b:s1+s20], $0x80, s17, s20, $0xb8;
	[tilespmem:$0x1A680] =	vst v63  }
0xa3: {  	p1 =	sne.s32 s25, $0x1CC0  }
0xa4: {  	[tilespmem:s22], [sflag:$0x1] =	stream.indirect.gather [hbm4b:s1+s20], $0x80, s2, s20, $0xb8;
	[tilespmem:$0x1A680] =	vst v63  }
.Ltmp0:
0xa5: {  	_ = 	snop;
	(pc) =	sbr.rel @p1 .LBB2_2-.Ltmp0, $4  }
0xa6: {  	_ = 	snop  }
0xa7: {  	[tilespmem:s24], [sflag:$0x1] =	stream.indirect.gather [hbm4b:s1+s20], $0x80, s6, s20, $0xb8;
	[tilespmem:$0x1A680] =	vst v63  }
0xa8: {  	s25 =	sadd.s32 $0x140, s25;
	s28 =	sadd.s32 $0xA00, s28  }
0xa9: {  	[tilespmem:s26], [sflag:$0x1] =	stream.indirect.gather [hbm4b:s1+s20], $0x80, s8, s20, $0xb8;
	[tilespmem:$0x1A680] =	vst v63  }
0xaa: {  	s0 =	simm.s32 $0x6800  }
0xab: {  	[tilespmem:s29], [sflag:$0x1] =	stream.indirect.gather [hbm4b:s1+s20], $0x80, s0, s20, $0xb8;
	[tilespmem:$0x1A680] =	vst v63  }
0xac: {  	_ =	swait.ge [sflag:s30], $0x6400  }
0xad: {  	[sflag:s30] =	ssyncset.done $0x0  }
0xae: {  	s8 =	simm.s32 $0x6480;
	[sflag:s30] =	ssyncadd.s32 $0xFFFF9C00  }
0xaf: {  	[spmem:s3] =	stream.indirect.scatter.add.f32 [tilespmem:s4], [sflag:$0x2], $0x80, s8, s20, $0xb8;
	[tilespmem:$0x1A680] =	vst v63  }
0xb0: {  	s25 =	simm.s32 $0x6580  }
0xb1: {  	[spmem:s3] =	stream.indirect.scatter.add.f32 [tilespmem:s22], [sflag:$0x2], $0x80, s25, s20, $0xb8;
	[tilespmem:$0x1A680] =	vst v63  }
0xb2: {  	s2 =	simm.s32 $0x6680  }
0xb3: {  	[spmem:s3] =	stream.indirect.scatter.add.f32 [tilespmem:s24], [sflag:$0x2], $0x80, s2, s20, $0xb8;
	[tilespmem:$0x1A680] =	vst v63  }
0xb4: {  	s8 =	simm.s32 $0x6780  }
0xb5: {  	[spmem:s3] =	stream.indirect.scatter.add.f32 [tilespmem:s26], [sflag:$0x2], $0x80, s8, s20, $0xb8;
	[tilespmem:$0x1A680] =	vst v63  }
0xb6: {  	s25 =	simm.s32 $0x6880  }
0xb7: {  	[spmem:s3] =	stream.indirect.scatter.add.f32 [tilespmem:s29], [sflag:$0x2], $0x80, s25, s20, $0xb8;
	[tilespmem:$0x1A680] =	vst v63  }
0xb8: {  	_ =	swait.ge [sflag:s9], $0x6400  }
0xb9: {  	[sflag:s9] =	ssyncset.done $0x0  }
0xba: {  	[sflag:s9] =	ssyncadd.s32 $0xFFFF9C00  }
0xbb: {  	_ =	swait.ge [sflag:s7], $0x500  }
0xbc: {  	[sflag:s7] =	ssyncset.done $0x0  }
0xbd: {  	[sflag:s7] =	ssyncadd.s32 $0xFFFFFB00  }
0xbe: {  	[tilespmem:s4], [sflag:$0x1] =	stream.indirect.gather [hbm4b:s1+s20], $0x80, s18, s20, $0xb8;
	[tilespmem:$0x1A680] =	vst v63  }
0xbf: {  	_ = 	snop  }
0xc0: {  	[tilespmem:s22], [sflag:$0x1] =	stream.indirect.gather [hbm4b:s1+s20], $0x80, s10, s20, $0xb8;
	[tilespmem:$0x1A680] =	vst v63  }
0xc1: {  	_ = 	snop  }
0xc2: {  	[tilespmem:s24], [sflag:$0x1] =	stream.indirect.gather [hbm4b:s1+s20], $0x80, s11, s20, $0xb8;
	[tilespmem:$0x1A680] =	vst v63  }
0xc3: {  	_ = 	snop  }
0xc4: {  	[tilespmem:s26], [sflag:$0x1] =	stream.indirect.gather [hbm4b:s1+s20], $0x80, s12, s20, $0xb8;
	[tilespmem:$0x1A680] =	vst v63  }
0xc5: {  	_ = 	snop  }
0xc6: {  	[tilespmem:s29], [sflag:$0x1] =	stream.indirect.gather [hbm4b:s1+s20], $0x80, s13, s20, $0xb8;
	[tilespmem:$0x1A680] =	vst v63  }
0xc7: {  	_ =	swait.ge [sflag:s30], $0x6400  }
0xc8: {  	[sflag:s30] =	ssyncset.done $0x0  }
0xc9: {  	[sflag:s30] =	ssyncadd.s32 $0xFFFF9C00  }
0xca: {  	[spmem:s3] =	stream.indirect.scatter.add.f32 [tilespmem:s4], [sflag:$0x2], $0x80, s14, s20, $0xb8;
	[tilespmem:$0x1A680] =	vst v63  }
0xcb: {  	_ = 	snop  }
0xcc: {  	[spmem:s3] =	stream.indirect.scatter.add.f32 [tilespmem:s22], [sflag:$0x2], $0x80, s15, s20, $0xb8;
	[tilespmem:$0x1A680] =	vst v63  }
0xcd: {  	_ = 	snop  }
0xce: {  	[spmem:s3] =	stream.indirect.scatter.add.f32 [tilespmem:s24], [sflag:$0x2], $0x80, s16, s20, $0xb8;
	[tilespmem:$0x1A680] =	vst v63  }
0xcf: {  	_ = 	snop  }
0xd0: {  	[spmem:s3] =	stream.indirect.scatter.add.f32 [tilespmem:s26], [sflag:$0x2], $0x80, s21, s20, $0xb8;
	[tilespmem:$0x1A680] =	vst v63  }
0xd1: {  	_ = 	snop  }
0xd2: {  	[spmem:s3] =	stream.indirect.scatter.add.f32 [tilespmem:s29], [sflag:$0x2], $0x80, s23, s20, $0xb8;
	[tilespmem:$0x1A680] =	vst v63  }
0xd3: {  	_ =	swait.ge [sflag:s9], $0x6400  }
0xd4: {  	[sflag:s9] =	ssyncset.done $0x0  }
0xd5: {  	[sflag:s9] =	ssyncadd.s32 $0xFFFF9C00  }
0xd6: {  	[bflag:$0x0] =	sbarrier.arrive $0xFFFF  }
0xd7: {  	s25 =	rddreg [dreg:$0xa]  }
0xd8: {  	s0 =	simm.s32 @p0 $0x1FC5;
	s8 =	rddreg [dreg:$0xd]  }
0xd9: {  	[hbm:s25], [sflag:s0] =	dma.local @p0 [spmem:s8], $0x2800  }
0xda: {  	s0 =	simm.s32 @p0 $0x5  }
0xdb: {  	_ =	swait.ge @p0 [sflag:s0], $0x2800  }
0xdc: {  	s31 =	rddreg [dreg:$0xe]  }
0xdd: {  	[sflag:s0] =	ssyncset.done @p0 $0x0;
	s28 =	rddreg [dreg:$0xf]  }
0xde: {  	[sflag:s0] =	ssyncadd.s32 @p0 $0xFFFFD800;
	s0 =	rddreg [dreg:$0x9]  }
0xdf: {  	[hbm:s0], [sflag:s31] =	dma.local @!p0 [spmem:s28], $0x2700  }
0xe0: {  	s0 =	simm.s32 @!p0 $0x5  }
0xe1: {  	_ =	swait.ge @!p0 [sflag:s0], $0x2700  }
0xe2: {  	s2 =	rddreg [dreg:$0x10]  }
0xe3: {  	s25 =	rddreg [dreg:$0xb];
	s2 =	sadd.s32 $0x1, s2  }
0xe4: {  	p1 =	sne.s32 s2, s25  }
.Ltmp1:
0xe5: {  	_ = 	snop;
	(pc) =	sbr.rel @p1 .LBB2_1-.Ltmp1, $3  }
0xe6: {  	_ =	sdelay $0x1  }
0xe7: {  	[sflag:s0] =	ssyncset.done @!p0 $0x0  }
0xe8: {  	[sflag:s0] =	ssyncadd.s32 @!p0 $0xFFFFD900  }
0xe9: {  	_ =	sfence.sel $0x180000  }
0xea: {  	[bflag:$0x0] =	sbarrier.arrive $0xFFFF  }
0xeb: {  	_ =	strace $0x90000047  }
0xec: {  	s0 =	stileid.u32;
	[bflag:$0x2] =	sbarrier.arrive $0xFFFF  }
0xed: {  	p0 =	sne.s32 s0, $0x0;
	s0 =	rddreg [dreg:$0x3]  }
0xee: {  	s0 =	sadd.s32 @!p0 $0x100000, s0  }
0xef: {  	[sflag:s0] =	ssyncadd.tile.s32 @!p0 $0x1;
	_ =	shalt  }
.Lfunc_end2:
_tile_overlayer_lowered:
.L_overlay_start_2:
0xf0: {  	(tag) =	ssettag $0x2  }
0xf1: {  	s0 =	rddreg [dreg:$0x0];
	s2 =	stileid.u32  }
0xf2: {  	s1 =	rddreg [dreg:$0x1];
	p0 =	sne.s32 s2, $0x0  }
0xf3: {  	s3 =	rddreg [dreg:$0x2];
	[bflag:$0x3] =	sbarrier.arrive $0xFFFF;
	s2 =	simm.s32 @!p0 $0x1C05  }
0xf4: {  	[timem:s3], [sflag:s2] =	dma.local @!p0 [hbm:s0], s1  }
0xf5: {  	s0 =	simm.s32 @!p0 $0x5  }
0xf6: {  	_ =	swait.ge @!p0 [sflag:s0], s1  }
0xf7: {  	s1 =	ssub.s32 @!p0 $0x0, s1;
	[sflag:s0] =	ssyncset.done @!p0 $0x0  }
0xf8: {  	[sflag:s0] =	ssyncadd.s32 @!p0 s1  }
0xf9: {  	[bflag:$0x3] =	sbarrier.arrive $0xFFFF  }
0xfa: {  	_ =	shalt  }

</sc_bundles>
